<compile_context>
chip_gen: v7x
topology: tpu7x:2x2x1
jax: 0.10.2.dev20260603
libtpu: 0.0.44.dev20260713+nightly
codegen_flags: <defaults>
</compile_context>

<pallas_src>
import functools

import jax
import jax.numpy as jnp
from jax import lax
from jax.experimental import pallas as pl
from jax.experimental.pallas import tpu as pltpu
from jax.experimental.pallas import tpu_sc as plsc

VOCAB = 49408
HIDDEN = 768
SEQ = 77
BATCH = 4096

NW = 32
BPW = BATCH // NW
K = 32
BLKS = BPW // K
CHUNKS_PER_W = SEQ * BLKS
NPAIR = CHUNKS_PER_W // 2
IDS_PER_W = SEQ * BPW
LANES = 16
NSL = HIDDEN // LANES

_mesh = plsc.VectorSubcoreMesh(core_axis_name="c", subcore_axis_name="s")


@functools.partial(
    pl.kernel,
    out_type=jax.ShapeDtypeStruct((SEQ, BATCH, HIDDEN), jnp.float32),
    mesh=_mesh,
    scratch_types=[
        pltpu.VMEM((IDS_PER_W,), jnp.int32),
        pltpu.VMEM((SEQ * HIDDEN,), jnp.float32),
        pltpu.VMEM((K, HIDDEN), jnp.float32),
        pltpu.VMEM((K, HIDDEN), jnp.float32),
        pltpu.SemaphoreType.DMA,
        pltpu.SemaphoreType.DMA,
        pltpu.SemaphoreType.DMA,
        pltpu.SemaphoreType.DMA,
    ],
)
def _embed_sc(ids_hbm, table_hbm, pos_hbm, out_hbm, idx_v, pos_v,
              buf_a, buf_b, gs_a, gs_b, ss_a, ss_b):
    wid = lax.axis_index("s") * 2 + lax.axis_index("c")
    pltpu.sync_copy(ids_hbm.at[pl.ds(wid * IDS_PER_W, IDS_PER_W)], idx_v)
    pltpu.sync_copy(pos_hbm, pos_v)
    b_base = wid * BPW

    def start_gather(c, buf, sem):
        pltpu.async_copy(table_hbm.at[idx_v.at[pl.ds(c * K, K)]], buf, sem)

    def wait_gather(c, buf, sem):
        pltpu.make_async_copy(table_hbm.at[idx_v.at[pl.ds(c * K, K)]], buf, sem).wait()

    def dst(c):
        return out_hbm.at[c // BLKS, pl.ds(b_base + (c % BLKS) * K, K)]

    def start_store(c, buf, sem):
        pltpu.async_copy(buf, dst(c), sem)

    def wait_store(c, buf, sem):
        pltpu.make_async_copy(buf, dst(c), sem).wait()

    def add_pos(buf, c):
        p_base = (c // BLKS) * HIDDEN

        def row_body(i, carry):
            for j in range(NSL):
                plsc.addupdate(buf.at[i, pl.ds(j * LANES, LANES)],
                               pos_v[pl.ds(p_base + j * LANES, LANES)])
            return carry
        lax.fori_loop(0, K, row_body, jnp.int32(0))

    start_gather(0, buf_a, gs_a)

    def pair_body(t, carry):
        c_a = 2 * t
        c_b = c_a + 1
        wait_gather(c_a, buf_a, gs_a)

        @pl.when(t > 0)
        def _():
            wait_store(c_b - 2, buf_b, ss_b)

        start_gather(c_b, buf_b, gs_b)
        add_pos(buf_a, c_a)
        start_store(c_a, buf_a, ss_a)
        wait_gather(c_b, buf_b, gs_b)

        @pl.when(t < NPAIR - 1)
        def _():
            wait_store(c_a, buf_a, ss_a)
            start_gather(c_a + 2, buf_a, gs_a)

        add_pos(buf_b, c_b)
        start_store(c_b, buf_b, ss_b)
        return carry

    lax.fori_loop(0, NPAIR, pair_body, jnp.int32(0))
    wait_store(CHUNKS_PER_W - 2, buf_a, ss_a)
    wait_store(CHUNKS_PER_W - 1, buf_b, ss_b)


_MASK_BB = 32


def _mask_body(o_ref):
    r = lax.broadcasted_iota(jnp.int32, (SEQ, SEQ), 0)
    c = lax.broadcasted_iota(jnp.int32, (SEQ, SEQ), 1)
    m = jnp.where(c <= r, jnp.float32(0), jnp.finfo(jnp.float32).min)
    o_ref[...] = jnp.broadcast_to(m[None, None], o_ref.shape)


def _make_mask():
    return pl.pallas_call(
        _mask_body,
        grid=(BATCH // _MASK_BB,),
        out_specs=pl.BlockSpec((_MASK_BB, 1, SEQ, SEQ), lambda i: (i, 0, 0, 0)),
        out_shape=jax.ShapeDtypeStruct((BATCH, 1, SEQ, SEQ), jnp.float32),
    )()


def kernel(input_ids, attention_mask, image_embeds, token_embedding, position_embedding):
    ids_prep = (input_ids.astype(jnp.int32)
                .reshape(NW, BPW, SEQ).transpose(0, 2, 1).reshape(-1))
    out_t = _embed_sc(ids_prep, token_embedding, position_embedding.reshape(-1))
    hidden = jnp.transpose(out_t, (1, 0, 2))
    causal = _make_mask()
    return (input_ids, attention_mask, hidden, causal, image_embeds)

# --- scband reference (transcript-rebuilt; emitter-appended) ---
"""Pipeline reference for scband-cliptext-pre-encoder-29334626632471 (READ-ONLY COPY).

The authoritative reference and input builder live on the scoring server;
editing this copy changes nothing except your own understanding.
"""

import jax, jax.numpy as jnp
import numpy as np

VOCAB = 49408
HIDDEN = 768
SEQ = 77
BATCH = 4096


def setup_inputs(seed: int = 0) -> dict:
    key = jax.random.key(seed)
    k1, k2, k3, k4 = jax.random.split(key, 4)
    input_ids = jax.random.randint(k1, (BATCH, SEQ), 0, VOCAB, dtype=jnp.int64 if jax.config.jax_enable_x64 else jnp.int32)
    attention_mask = jnp.ones((BATCH, SEQ), dtype=jnp.int32)
    image_embeds = jax.random.normal(k2, (BATCH, HIDDEN), dtype=jnp.float32)
    token_embedding = jax.random.normal(k3, (VOCAB, HIDDEN), dtype=jnp.float32) * 0.02
    position_embedding = jax.random.normal(k4, (SEQ, HIDDEN), dtype=jnp.float32) * 0.02
    return {
        'input_ids': input_ids,
        'attention_mask': attention_mask,
        'image_embeds': image_embeds,
        'token_embedding': token_embedding,
        'position_embedding': position_embedding,
    }


def _make_causal_mask(bsz, tgt_len, dtype):
    min_val = jnp.finfo(dtype).min
    mask = jnp.full((tgt_len, tgt_len), min_val, dtype=dtype)
    mask_cond = jnp.arange(tgt_len)
    # masked_fill where col < row+1 -> 0 (lower triangular incl. diagonal)
    keep_zero = mask_cond[None, :] < (mask_cond + 1)[:, None]
    mask = jnp.where(keep_zero, jnp.zeros((), dtype=dtype), mask)
    return jnp.broadcast_to(mask[None, None, :, :], (bsz, 1, tgt_len, tgt_len))


def reference(input_ids, attention_mask, image_embeds, token_embedding, position_embedding):
    input_shape = input_ids.shape
    input_ids = input_ids.reshape(-1, input_shape[-1])
    bsz, tgt_len = input_ids.shape
    # CLIPTextEmbeddings: token lookup + positional lookup (SparseCore gathers)
    tok = jnp.take(token_embedding, input_ids, axis=0)            # [B, S, H]
    position_ids = jnp.arange(tgt_len)
    pos = jnp.take(position_embedding, position_ids, axis=0)     # [S, H]
    hidden_states = tok + pos[None, :, :]
    causal_attention_mask = _make_causal_mask(bsz, tgt_len, hidden_states.dtype)
    return (input_ids, attention_mask, hidden_states, causal_attention_mask, image_embeds)

if __name__ == "__main__":
    import jax
    _d = setup_inputs()
    print(jax.jit(kernel)(*tuple(_d.values())))

</pallas_src>

<mosaic_0001>
#map = affine_map<(d0, d1) -> (0)>
#map1 = affine_map<(d0, d1) -> (0, 0)>
#map2 = affine_map<(d0, d1) -> (0, 0, 0)>
module attributes {stable_mosaic.version = 14 : i64} {
  func.func @_embed_sc(%arg0: i32, %arg1: i32, %arg2: memref<315392xi32, #tpu.memory_space<hbm>>, %arg3: memref<49408x768xf32, #tpu.memory_space<hbm>>, %arg4: memref<59136xf32, #tpu.memory_space<hbm>>, %arg5: memref<77x4096x768xf32, #tpu.memory_space<hbm>>, %arg6: memref<9856xi32, #tpu.memory_space<vmem>>, %arg7: memref<59136xf32, #tpu.memory_space<vmem>>, %arg8: memref<32x768xf32, #tpu.memory_space<vmem>>, %arg9: memref<32x768xf32, #tpu.memory_space<vmem>>, %arg10: memref<!tpu.dma_semaphore, #tpu.memory_space<semaphore_mem>>, %arg11: memref<!tpu.dma_semaphore, #tpu.memory_space<semaphore_mem>>, %arg12: memref<!tpu.dma_semaphore, #tpu.memory_space<semaphore_mem>>, %arg13: memref<!tpu.dma_semaphore, #tpu.memory_space<semaphore_mem>>) attributes {dimension_semantics = [#tpu.dimension_semantics<core_parallel>, #tpu.dimension_semantics<subcore_parallel>], iteration_bounds = array<i64: 2, 16>, scalar_prefetch = 0 : i64, scratch_operands = 8 : i64, tpu.core_type = #tpu.core_type<sc_vector_subcore>, window_params = [{transform_indices = #map}, {transform_indices = #map1}, {transform_indices = #map}, {transform_indices = #map2}]} {
    %mul3A = arith.constant 2 : i32
    %mul3A_0 = arith.muli %arg1, %mul3A : i32
    %add3A = arith.addi %mul3A_0, %arg0 : i32
    %mul3A_1 = arith.constant 9856 : i32
    %mul3A_2 = arith.muli %add3A, %mul3A_1 : i32
    "tpu.region"() ({
      %run_scoped3A = tpu.sem_alloc : memref<!tpu.dma_semaphore, #tpu.memory_space<semaphore_mem>>
      %dma_start3A_31 = tpu.memref_slice %arg2[%mul3A_2] : memref<315392xi32, #tpu.memory_space<hbm>> -> memref<9856xi32, #tpu.memory_space<hbm>>
      %dma_start3A_32 = tpu.memref_slice %arg2[%mul3A_2] : memref<315392xi32, #tpu.memory_space<hbm>> -> memref<9856xi32, #tpu.memory_space<hbm>>
      tpu.enqueue_dma source(%dma_start3A_32 : memref<9856xi32, #tpu.memory_space<hbm>>) target(%arg6 : memref<9856xi32, #tpu.memory_space<vmem>>) target_semaphore(%run_scoped3A : memref<!tpu.dma_semaphore, #tpu.memory_space<semaphore_mem>>)
      %dma_wait3A_33 = tpu.memref_slice %arg2[%mul3A_2] : memref<315392xi32, #tpu.memory_space<hbm>> -> memref<9856xi32, #tpu.memory_space<hbm>>
      %dma_wait3A_34 = tpu.memref_slice %arg2[%mul3A_2] : memref<315392xi32, #tpu.memory_space<hbm>> -> memref<9856xi32, #tpu.memory_space<hbm>>
      tpu.wait_dma2 semaphore(%run_scoped3A : memref<!tpu.dma_semaphore, #tpu.memory_space<semaphore_mem>>) src(%dma_wait3A_34 : memref<9856xi32, #tpu.memory_space<hbm>>) dst(%arg6 : memref<9856xi32, #tpu.memory_space<vmem>>)
      tpu.yield
    }) : () -> ()
    "tpu.region"() ({
      %run_scoped3A = tpu.sem_alloc : memref<!tpu.dma_semaphore, #tpu.memory_space<semaphore_mem>>
      tpu.enqueue_dma source(%arg4 : memref<59136xf32, #tpu.memory_space<hbm>>) target(%arg7 : memref<59136xf32, #tpu.memory_space<vmem>>) target_semaphore(%run_scoped3A : memref<!tpu.dma_semaphore, #tpu.memory_space<semaphore_mem>>)
      tpu.wait_dma2 semaphore(%run_scoped3A : memref<!tpu.dma_semaphore, #tpu.memory_space<semaphore_mem>>) src(%arg4 : memref<59136xf32, #tpu.memory_space<hbm>>) dst(%arg7 : memref<59136xf32, #tpu.memory_space<vmem>>)
      tpu.yield
    }) : () -> ()
    %mul3A_3 = arith.constant 128 : i32
    %mul3A_4 = arith.muli %add3A, %mul3A_3 : i32
    %dma_start3A = arith.constant 0 : i32
    %dma_start3A_5 = tpu.memref_slice %arg6[%dma_start3A] : memref<9856xi32, #tpu.memory_space<vmem>> -> memref<32xi32, #tpu.memory_space<vmem>>
    %dma_start3A_6 = arith.constant 0 : i32
    %dma_start3A_7 = arith.constant 0 : i32
    %dma_start3A_8 = tpu.memref_slice %arg3[%dma_start3A_6, %dma_start3A_7] : memref<49408x768xf32, #tpu.memory_space<hbm>> -> memref<49408x768xf32, #tpu.memory_space<hbm>>
    tpu.enqueue_indirect_dma source(%dma_start3A_8 : memref<49408x768xf32, #tpu.memory_space<hbm>>) target(%arg8 : memref<32x768xf32, #tpu.memory_space<vmem>>) offsets(%dma_start3A_5 : memref<32xi32, #tpu.memory_space<vmem>>) semaphore(%arg10 : memref<!tpu.dma_semaphore, #tpu.memory_space<semaphore_mem>>)
    %scan3A = arith.constant 0 : i32
    %scan3A_9 = arith.constant 0 : i32
    %scan3A_10 = arith.constant 154 : i32
    %scan3A_11 = arith.addi %scan3A_9, %scan3A_10 : i32
    %scan3A_12 = arith.constant 1 : i32
    scf.for %scan3A_31 = %scan3A_9 to %scan3A_11 step %scan3A_12  : i32 {
      %mul3A_32 = arith.constant 2 : i32
      %mul3A_33 = arith.muli %mul3A_32, %scan3A_31 : i32
      %add3A_34 = arith.constant 1 : i32
      %add3A_35 = arith.addi %mul3A_33, %add3A_34 : i32
      %mul3A_36 = arith.constant 32 : i32
      %mul3A_37 = arith.muli %mul3A_33, %mul3A_36 : i32
      %dma_wait3A_38 = tpu.memref_slice %arg6[%mul3A_37] : memref<9856xi32, #tpu.memory_space<vmem>> -> memref<32xi32, #tpu.memory_space<vmem>>
      %dma_wait3A_39 = arith.constant 0 : i32
      %dma_wait3A_40 = arith.constant 0 : i32
      %dma_wait3A_41 = tpu.memref_slice %arg3[%dma_wait3A_39, %dma_wait3A_40] : memref<49408x768xf32, #tpu.memory_space<hbm>> -> memref<49408x768xf32, #tpu.memory_space<hbm>>
      tpu.wait_indirect_dma semaphore(%arg10 : memref<!tpu.dma_semaphore, #tpu.memory_space<semaphore_mem>>) src(%dma_wait3A_41 : memref<49408x768xf32, #tpu.memory_space<hbm>>) dst(%arg8 : memref<32x768xf32, #tpu.memory_space<vmem>>)
      %gt3A = arith.constant 0 : i32
      %gt3A_42 = arith.cmpi sgt, %scan3A_31, %gt3A : i32
      %convert_element_type3A = arith.extui %gt3A_42 : i1 to i32
      %cond3A = arith.constant 0 : i32
      %cond3A_43 = arith.cmpi ne, %convert_element_type3A, %cond3A : i32
      scf.if %cond3A_43 {
        %sub3A_213 = arith.constant 2 : i32
        %sub3A_214 = arith.subi %add3A_35, %sub3A_213 : i32
        %jit3A_215 = arith.constant 4 : i32
        %div3A_216 = arith.divsi %sub3A_214, %jit3A_215 : i32
        %sign3A_217 = arith.constant 0 : i32
        %sign3A_218 = arith.cmpi sgt, %sub3A_214, %sign3A_217 : i32
        %sign3A_219 = arith.extui %sign3A_218 : i1 to i32
        %sign3A_220 = arith.constant 0 : i32
        %sign3A_221 = arith.cmpi slt, %sub3A_214, %sign3A_220 : i32
        %sign3A_222 = arith.extui %sign3A_221 : i1 to i32
        %sign3A_223 = arith.subi %sign3A_219, %sign3A_222 : i32
        %sign3A_224 = arith.constant 0 : i32
        %sign3A_225 = arith.cmpi sgt, %jit3A_215, %sign3A_224 : i32
        %sign3A_226 = arith.extui %sign3A_225 : i1 to i32
        %sign3A_227 = arith.constant 0 : i32
        %sign3A_228 = arith.cmpi slt, %jit3A_215, %sign3A_227 : i32
        %sign3A_229 = arith.extui %sign3A_228 : i1 to i32
        %sign3A_230 = arith.subi %sign3A_226, %sign3A_229 : i32
        %ne3A_231 = arith.cmpi ne, %sign3A_223, %sign3A_230 : i32
        %rem3A_232 = arith.remsi %sub3A_214, %jit3A_215 : i32
        %ne3A_233 = arith.constant 0 : i32
        %ne3A_234 = arith.cmpi ne, %rem3A_232, %ne3A_233 : i32
        %and3A_235 = arith.andi %ne3A_231, %ne3A_234 : i1
        %sub3A_236 = arith.constant 1 : i32
        %sub3A_237 = arith.subi %div3A_216, %sub3A_236 : i32
        %select_n3A_238 = arith.select %and3A_235, %sub3A_237, %div3A_216 : i32
        %jit3A_239 = arith.constant 4 : i32
        %eq3A_240 = arith.constant 0 : i32
        %eq3A_241 = arith.cmpi eq, %jit3A_239, %eq3A_240 : i32
        %jit3A_242 = arith.constant 1 : i32
        %select_n3A_243 = arith.select %eq3A_241, %jit3A_242, %jit3A_239 : i32
        %rem3A_244 = arith.remsi %sub3A_214, %select_n3A_243 : i32
        %ne3A_245 = arith.constant 0 : i32
        %ne3A_246 = arith.cmpi ne, %rem3A_244, %ne3A_245 : i32
        %lt3A_247 = arith.constant 0 : i32
        %lt3A_248 = arith.cmpi slt, %rem3A_244, %lt3A_247 : i32
        %lt3A_249 = arith.constant 0 : i32
        %lt3A_250 = arith.cmpi slt, %select_n3A_243, %lt3A_249 : i32
        %ne3A_251 = arith.xori %lt3A_248, %lt3A_250 : i1
        %and3A_252 = arith.andi %ne3A_251, %ne3A_246 : i1
        %add3A_253 = arith.addi %rem3A_244, %select_n3A_243 : i32
        %select_n3A_254 = arith.select %and3A_252, %add3A_253, %rem3A_244 : i32
        %mul3A_255 = arith.constant 32 : i32
        %mul3A_256 = arith.muli %select_n3A_254, %mul3A_255 : i32
        %add3A_257 = arith.addi %mul3A_4, %mul3A_256 : i32
        %dma_wait3A_258 = arith.constant 0 : i32
        %dma_wait3A_259 = tpu.memref_slice %arg5[%select_n3A_238, %add3A_257, %dma_wait3A_258] : memref<77x4096x768xf32, #tpu.memory_space<hbm>> -> memref<1x32x768xf32, #tpu.memory_space<hbm>>
        %dma_wait3A_260 = tpu.memref_squeeze %dma_wait3A_259 : memref<1x32x768xf32, #tpu.memory_space<hbm>> -> memref<32x768xf32, #tpu.memory_space<hbm>>
        %dma_wait3A_261 = arith.constant 0 : i32
        %dma_wait3A_262 = tpu.memref_slice %arg5[%select_n3A_238, %add3A_257, %dma_wait3A_261] : memref<77x4096x768xf32, #tpu.memory_space<hbm>> -> memref<1x32x768xf32, #tpu.memory_space<hbm>>
        %dma_wait3A_263 = tpu.memref_squeeze %dma_wait3A_262 : memref<1x32x768xf32, #tpu.memory_space<hbm>> -> memref<32x768xf32, #tpu.memory_space<hbm>>
        tpu.wait_dma2 semaphore(%arg13 : memref<!tpu.dma_semaphore, #tpu.memory_space<semaphore_mem>>) src(%arg9 : memref<32x768xf32, #tpu.memory_space<vmem>>) dst(%dma_wait3A_263 : memref<32x768xf32, #tpu.memory_space<hbm>>)
      } else {
      }
      %mul3A_44 = arith.constant 32 : i32
      %mul3A_45 = arith.muli %add3A_35, %mul3A_44 : i32
      %dma_start3A_46 = tpu.memref_slice %arg6[%mul3A_45] : memref<9856xi32, #tpu.memory_space<vmem>> -> memref<32xi32, #tpu.memory_space<vmem>>
      %dma_start3A_47 = arith.constant 0 : i32
      %dma_start3A_48 = arith.constant 0 : i32
      %dma_start3A_49 = tpu.memref_slice %arg3[%dma_start3A_47, %dma_start3A_48] : memref<49408x768xf32, #tpu.memory_space<hbm>> -> memref<49408x768xf32, #tpu.memory_space<hbm>>
      tpu.enqueue_indirect_dma source(%dma_start3A_49 : memref<49408x768xf32, #tpu.memory_space<hbm>>) target(%arg9 : memref<32x768xf32, #tpu.memory_space<vmem>>) offsets(%dma_start3A_46 : memref<32xi32, #tpu.memory_space<vmem>>) semaphore(%arg11 : memref<!tpu.dma_semaphore, #tpu.memory_space<semaphore_mem>>)
      %jit3A = arith.constant 4 : i32
      %div3A = arith.divsi %mul3A_33, %jit3A : i32
      %sign3A = arith.constant 0 : i32
      %sign3A_50 = arith.cmpi sgt, %mul3A_33, %sign3A : i32
      %sign3A_51 = arith.extui %sign3A_50 : i1 to i32
      %sign3A_52 = arith.constant 0 : i32
      %sign3A_53 = arith.cmpi slt, %mul3A_33, %sign3A_52 : i32
      %sign3A_54 = arith.extui %sign3A_53 : i1 to i32
      %sign3A_55 = arith.subi %sign3A_51, %sign3A_54 : i32
      %sign3A_56 = arith.constant 0 : i32
      %sign3A_57 = arith.cmpi sgt, %jit3A, %sign3A_56 : i32
      %sign3A_58 = arith.extui %sign3A_57 : i1 to i32
      %sign3A_59 = arith.constant 0 : i32
      %sign3A_60 = arith.cmpi slt, %jit3A, %sign3A_59 : i32
      %sign3A_61 = arith.extui %sign3A_60 : i1 to i32
      %sign3A_62 = arith.subi %sign3A_58, %sign3A_61 : i32
      %ne3A = arith.cmpi ne, %sign3A_55, %sign3A_62 : i32
      %rem3A = arith.remsi %mul3A_33, %jit3A : i32
      %ne3A_63 = arith.constant 0 : i32
      %ne3A_64 = arith.cmpi ne, %rem3A, %ne3A_63 : i32
      %and3A = arith.andi %ne3A, %ne3A_64 : i1
      %sub3A = arith.constant 1 : i32
      %sub3A_65 = arith.subi %div3A, %sub3A : i32
      %select_n3A = arith.select %and3A, %sub3A_65, %div3A : i32
      %mul3A_66 = arith.constant 768 : i32
      %mul3A_67 = arith.muli %select_n3A, %mul3A_66 : i32
      %scan3A_68 = arith.constant 0 : i32
      %scan3A_69 = arith.constant 0 : i32
      %scan3A_70 = arith.constant 32 : i32
      %scan3A_71 = arith.addi %scan3A_69, %scan3A_70 : i32
      %scan3A_72 = arith.constant 1 : i32
      scf.for %scan3A_213 = %scan3A_69 to %scan3A_71 step %scan3A_72  : i32 {
        %add3A_214 = arith.constant 0 : i32
        %add3A_215 = arith.addi %mul3A_67, %add3A_214 : i32
        %get3A = arith.index_cast %add3A_215 : i32 to index
        %get3A_216 = tpu.vector_load %arg7[%get3A] {strides = array<i32>} : memref<59136xf32, #tpu.memory_space<vmem>>, vector<16xf32>,
        %get3A_217 = vector.shape_cast %get3A_216 : vector<16xf32> to vector<16xf32>
        %swap3A = arith.index_cast %scan3A_213 : i32 to index
        %swap3A_218 = arith.constant 0 : index
        %swap3A_219 = tpu.vector_load %arg8[%swap3A, %swap3A_218] {strides = array<i32>} : memref<32x768xf32, #tpu.memory_space<vmem>>, vector<1x16xf32>,
        %swap3A_220 = vector.shape_cast %swap3A_219 : vector<1x16xf32> to vector<16xf32>
        %swap3A_221 = vector.shape_cast %get3A_217 : vector<16xf32> to vector<1x16xf32>
        tpu.vector_store %arg8[%swap3A, %swap3A_218], %swap3A_221 {add = true, strides = array<i32>} : memref<32x768xf32, #tpu.memory_space<vmem>>, vector<1x16xf32>,
        %add3A_222 = arith.constant 16 : i32
        %add3A_223 = arith.addi %mul3A_67, %add3A_222 : i32
        %get3A_224 = arith.index_cast %add3A_223 : i32 to index
        %get3A_225 = tpu.vector_load %arg7[%get3A_224] {strides = array<i32>} : memref<59136xf32, #tpu.memory_space<vmem>>, vector<16xf32>,
        %get3A_226 = vector.shape_cast %get3A_225 : vector<16xf32> to vector<16xf32>
        %swap3A_227 = arith.index_cast %scan3A_213 : i32 to index
        %swap3A_228 = arith.constant 16 : index
        %swap3A_229 = tpu.vector_load %arg8[%swap3A_227, %swap3A_228] {strides = array<i32>} : memref<32x768xf32, #tpu.memory_space<vmem>>, vector<1x16xf32>,
        %swap3A_230 = vector.shape_cast %swap3A_229 : vector<1x16xf32> to vector<16xf32>
        %swap3A_231 = vector.shape_cast %get3A_226 : vector<16xf32> to vector<1x16xf32>
        tpu.vector_store %arg8[%swap3A_227, %swap3A_228], %swap3A_231 {add = true, strides = array<i32>} : memref<32x768xf32, #tpu.memory_space<vmem>>, vector<1x16xf32>,
        %add3A_232 = arith.constant 32 : i32
        %add3A_233 = arith.addi %mul3A_67, %add3A_232 : i32
        %get3A_234 = arith.index_cast %add3A_233 : i32 to index
        %get3A_235 = tpu.vector_load %arg7[%get3A_234] {strides = array<i32>} : memref<59136xf32, #tpu.memory_space<vmem>>, vector<16xf32>,
        %get3A_236 = vector.shape_cast %get3A_235 : vector<16xf32> to vector<16xf32>
        %swap3A_237 = arith.index_cast %scan3A_213 : i32 to index
        %swap3A_238 = arith.constant 32 : index
        %swap3A_239 = tpu.vector_load %arg8[%swap3A_237, %swap3A_238] {strides = array<i32>} : memref<32x768xf32, #tpu.memory_space<vmem>>, vector<1x16xf32>,
        %swap3A_240 = vector.shape_cast %swap3A_239 : vector<1x16xf32> to vector<16xf32>
        %swap3A_241 = vector.shape_cast %get3A_236 : vector<16xf32> to vector<1x16xf32>
        tpu.vector_store %arg8[%swap3A_237, %swap3A_238], %swap3A_241 {add = true, strides = array<i32>} : memref<32x768xf32, #tpu.memory_space<vmem>>, vector<1x16xf32>,
        %add3A_242 = arith.constant 48 : i32
        %add3A_243 = arith.addi %mul3A_67, %add3A_242 : i32
        %get3A_244 = arith.index_cast %add3A_243 : i32 to index
        %get3A_245 = tpu.vector_load %arg7[%get3A_244] {strides = array<i32>} : memref<59136xf32, #tpu.memory_space<vmem>>, vector<16xf32>,
        %get3A_246 = vector.shape_cast %get3A_245 : vector<16xf32> to vector<16xf32>
        %swap3A_247 = arith.index_cast %scan3A_213 : i32 to index
        %swap3A_248 = arith.constant 48 : index
        %swap3A_249 = tpu.vector_load %arg8[%swap3A_247, %swap3A_248] {strides = array<i32>} : memref<32x768xf32, #tpu.memory_space<vmem>>, vector<1x16xf32>,
        %swap3A_250 = vector.shape_cast %swap3A_249 : vector<1x16xf32> to vector<16xf32>
        %swap3A_251 = vector.shape_cast %get3A_246 : vector<16xf32> to vector<1x16xf32>
        tpu.vector_store %arg8[%swap3A_247, %swap3A_248], %swap3A_251 {add = true, strides = array<i32>} : memref<32x768xf32, #tpu.memory_space<vmem>>, vector<1x16xf32>,
        %add3A_252 = arith.constant 64 : i32
        %add3A_253 = arith.addi %mul3A_67, %add3A_252 : i32
        %get3A_254 = arith.index_cast %add3A_253 : i32 to index
        %get3A_255 = tpu.vector_load %arg7[%get3A_254] {strides = array<i32>} : memref<59136xf32, #tpu.memory_space<vmem>>, vector<16xf32>,
        %get3A_256 = vector.shape_cast %get3A_255 : vector<16xf32> to vector<16xf32>
        %swap3A_257 = arith.index_cast %scan3A_213 : i32 to index
        %swap3A_258 = arith.constant 64 : index
        %swap3A_259 = tpu.vector_load %arg8[%swap3A_257, %swap3A_258] {strides = array<i32>} : memref<32x768xf32, #tpu.memory_space<vmem>>, vector<1x16xf32>,
        %swap3A_260 = vector.shape_cast %swap3A_259 : vector<1x16xf32> to vector<16xf32>
        %swap3A_261 = vector.shape_cast %get3A_256 : vector<16xf32> to vector<1x16xf32>
        tpu.vector_store %arg8[%swap3A_257, %swap3A_258], %swap3A_261 {add = true, strides = array<i32>} : memref<32x768xf32, #tpu.memory_space<vmem>>, vector<1x16xf32>,
        %add3A_262 = arith.constant 80 : i32
        %add3A_263 = arith.addi %mul3A_67, %add3A_262 : i32
        %get3A_264 = arith.index_cast %add3A_263 : i32 to index
        %get3A_265 = tpu.vector_load %arg7[%get3A_264] {strides = array<i32>} : memref<59136xf32, #tpu.memory_space<vmem>>, vector<16xf32>,
        %get3A_266 = vector.shape_cast %get3A_265 : vector<16xf32> to vector<16xf32>
        %swap3A_267 = arith.index_cast %scan3A_213 : i32 to index
        %swap3A_268 = arith.constant 80 : index
        %swap3A_269 = tpu.vector_load %arg8[%swap3A_267, %swap3A_268] {strides = array<i32>} : memref<32x768xf32, #tpu.memory_space<vmem>>, vector<1x16xf32>,
        %swap3A_270 = vector.shape_cast %swap3A_269 : vector<1x16xf32> to vector<16xf32>
        %swap3A_271 = vector.shape_cast %get3A_266 : vector<16xf32> to vector<1x16xf32>
        tpu.vector_store %arg8[%swap3A_267, %swap3A_268], %swap3A_271 {add = true, strides = array<i32>} : memref<32x768xf32, #tpu.memory_space<vmem>>, vector<1x16xf32>,
        %add3A_272 = arith.constant 96 : i32
        %add3A_273 = arith.addi %mul3A_67, %add3A_272 : i32
        %get3A_274 = arith.index_cast %add3A_273 : i32 to index
        %get3A_275 = tpu.vector_load %arg7[%get3A_274] {strides = array<i32>} : memref<59136xf32, #tpu.memory_space<vmem>>, vector<16xf32>,
        %get3A_276 = vector.shape_cast %get3A_275 : vector<16xf32> to vector<16xf32>
        %swap3A_277 = arith.index_cast %scan3A_213 : i32 to index
        %swap3A_278 = arith.constant 96 : index
        %swap3A_279 = tpu.vector_load %arg8[%swap3A_277, %swap3A_278] {strides = array<i32>} : memref<32x768xf32, #tpu.memory_space<vmem>>, vector<1x16xf32>,
        %swap3A_280 = vector.shape_cast %swap3A_279 : vector<1x16xf32> to vector<16xf32>
        %swap3A_281 = vector.shape_cast %get3A_276 : vector<16xf32> to vector<1x16xf32>
        tpu.vector_store %arg8[%swap3A_277, %swap3A_278], %swap3A_281 {add = true, strides = array<i32>} : memref<32x768xf32, #tpu.memory_space<vmem>>, vector<1x16xf32>,
        %add3A_282 = arith.constant 112 : i32
        %add3A_283 = arith.addi %mul3A_67, %add3A_282 : i32
        %get3A_284 = arith.index_cast %add3A_283 : i32 to index
        %get3A_285 = tpu.vector_load %arg7[%get3A_284] {strides = array<i32>} : memref<59136xf32, #tpu.memory_space<vmem>>, vector<16xf32>,
        %get3A_286 = vector.shape_cast %get3A_285 : vector<16xf32> to vector<16xf32>
        %swap3A_287 = arith.index_cast %scan3A_213 : i32 to index
        %swap3A_288 = arith.constant 112 : index
        %swap3A_289 = tpu.vector_load %arg8[%swap3A_287, %swap3A_288] {strides = array<i32>} : memref<32x768xf32, #tpu.memory_space<vmem>>, vector<1x16xf32>,
        %swap3A_290 = vector.shape_cast %swap3A_289 : vector<1x16xf32> to vector<16xf32>
        %swap3A_291 = vector.shape_cast %get3A_286 : vector<16xf32> to vector<1x16xf32>
        tpu.vector_store %arg8[%swap3A_287, %swap3A_288], %swap3A_291 {add = true, strides = array<i32>} : memref<32x768xf32, #tpu.memory_space<vmem>>, vector<1x16xf32>,
        %add3A_292 = arith.constant 128 : i32
        %add3A_293 = arith.addi %mul3A_67, %add3A_292 : i32
        %get3A_294 = arith.index_cast %add3A_293 : i32 to index
        %get3A_295 = tpu.vector_load %arg7[%get3A_294] {strides = array<i32>} : memref<59136xf32, #tpu.memory_space<vmem>>, vector<16xf32>,
        %get3A_296 = vector.shape_cast %get3A_295 : vector<16xf32> to vector<16xf32>
        %swap3A_297 = arith.index_cast %scan3A_213 : i32 to index
        %swap3A_298 = arith.constant 128 : index
        %swap3A_299 = tpu.vector_load %arg8[%swap3A_297, %swap3A_298] {strides = array<i32>} : memref<32x768xf32, #tpu.memory_space<vmem>>, vector<1x16xf32>,
        %swap3A_300 = vector.shape_cast %swap3A_299 : vector<1x16xf32> to vector<16xf32>
        %swap3A_301 = vector.shape_cast %get3A_296 : vector<16xf32> to vector<1x16xf32>
        tpu.vector_store %arg8[%swap3A_297, %swap3A_298], %swap3A_301 {add = true, strides = array<i32>} : memref<32x768xf32, #tpu.memory_space<vmem>>, vector<1x16xf32>,
        %add3A_302 = arith.constant 144 : i32
        %add3A_303 = arith.addi %mul3A_67, %add3A_302 : i32
        %get3A_304 = arith.index_cast %add3A_303 : i32 to index
        %get3A_305 = tpu.vector_load %arg7[%get3A_304] {strides = array<i32>} : memref<59136xf32, #tpu.memory_space<vmem>>, vector<16xf32>,
        %get3A_306 = vector.shape_cast %get3A_305 : vector<16xf32> to vector<16xf32>
        %swap3A_307 = arith.index_cast %scan3A_213 : i32 to index
        %swap3A_308 = arith.constant 144 : index
        %swap3A_309 = tpu.vector_load %arg8[%swap3A_307, %swap3A_308] {strides = array<i32>} : memref<32x768xf32, #tpu.memory_space<vmem>>, vector<1x16xf32>,
        %swap3A_310 = vector.shape_cast %swap3A_309 : vector<1x16xf32> to vector<16xf32>
        %swap3A_311 = vector.shape_cast %get3A_306 : vector<16xf32> to vector<1x16xf32>
        tpu.vector_store %arg8[%swap3A_307, %swap3A_308], %swap3A_311 {add = true, strides = array<i32>} : memref<32x768xf32, #tpu.memory_space<vmem>>, vector<1x16xf32>,
        %add3A_312 = arith.constant 160 : i32
        %add3A_313 = arith.addi %mul3A_67, %add3A_312 : i32
        %get3A_314 = arith.index_cast %add3A_313 : i32 to index
        %get3A_315 = tpu.vector_load %arg7[%get3A_314] {strides = array<i32>} : memref<59136xf32, #tpu.memory_space<vmem>>, vector<16xf32>,
        %get3A_316 = vector.shape_cast %get3A_315 : vector<16xf32> to vector<16xf32>
        %swap3A_317 = arith.index_cast %scan3A_213 : i32 to index
        %swap3A_318 = arith.constant 160 : index
        %swap3A_319 = tpu.vector_load %arg8[%swap3A_317, %swap3A_318] {strides = array<i32>} : memref<32x768xf32, #tpu.memory_space<vmem>>, vector<1x16xf32>,
        %swap3A_320 = vector.shape_cast %swap3A_319 : vector<1x16xf32> to vector<16xf32>
        %swap3A_321 = vector.shape_cast %get3A_316 : vector<16xf32> to vector<1x16xf32>
        tpu.vector_store %arg8[%swap3A_317, %swap3A_318], %swap3A_321 {add = true, strides = array<i32>} : memref<32x768xf32, #tpu.memory_space<vmem>>, vector<1x16xf32>,
        %add3A_322 = arith.constant 176 : i32
        %add3A_323 = arith.addi %mul3A_67, %add3A_322 : i32
        %get3A_324 = arith.index_cast %add3A_323 : i32 to index
        %get3A_325 = tpu.vector_load %arg7[%get3A_324] {strides = array<i32>} : memref<59136xf32, #tpu.memory_space<vmem>>, vector<16xf32>,
        %get3A_326 = vector.shape_cast %get3A_325 : vector<16xf32> to vector<16xf32>
        %swap3A_327 = arith.index_cast %scan3A_213 : i32 to index
        %swap3A_328 = arith.constant 176 : index
        %swap3A_329 = tpu.vector_load %arg8[%swap3A_327, %swap3A_328] {strides = array<i32>} : memref<32x768xf32, #tpu.memory_space<vmem>>, vector<1x16xf32>,
        %swap3A_330 = vector.shape_cast %swap3A_329 : vector<1x16xf32> to vector<16xf32>
        %swap3A_331 = vector.shape_cast %get3A_326 : vector<16xf32> to vector<1x16xf32>
        tpu.vector_store %arg8[%swap3A_327, %swap3A_328], %swap3A_331 {add = true, strides = array<i32>} : memref<32x768xf32, #tpu.memory_space<vmem>>, vector<1x16xf32>,
        %add3A_332 = arith.constant 192 : i32
        %add3A_333 = arith.addi %mul3A_67, %add3A_332 : i32
        %get3A_334 = arith.index_cast %add3A_333 : i32 to index
        %get3A_335 = tpu.vector_load %arg7[%get3A_334] {strides = array<i32>} : memref<59136xf32, #tpu.memory_space<vmem>>, vector<16xf32>,
        %get3A_336 = vector.shape_cast %get3A_335 : vector<16xf32> to vector<16xf32>
        %swap3A_337 = arith.index_cast %scan3A_213 : i32 to index
        %swap3A_338 = arith.constant 192 : index
        %swap3A_339 = tpu.vector_load %arg8[%swap3A_337, %swap3A_338] {strides = array<i32>} : memref<32x768xf32, #tpu.memory_space<vmem>>, vector<1x16xf32>,
        %swap3A_340 = vector.shape_cast %swap3A_339 : vector<1x16xf32> to vector<16xf32>
        %swap3A_341 = vector.shape_cast %get3A_336 : vector<16xf32> to vector<1x16xf32>
        tpu.vector_store %arg8[%swap3A_337, %swap3A_338], %swap3A_341 {add = true, strides = array<i32>} : memref<32x768xf32, #tpu.memory_space<vmem>>, vector<1x16xf32>,
        %add3A_342 = arith.constant 208 : i32
        %add3A_343 = arith.addi %mul3A_67, %add3A_342 : i32
        %get3A_344 = arith.index_cast %add3A_343 : i32 to index
        %get3A_345 = tpu.vector_load %arg7[%get3A_344] {strides = array<i32>} : memref<59136xf32, #tpu.memory_space<vmem>>, vector<16xf32>,
        %get3A_346 = vector.shape_cast %get3A_345 : vector<16xf32> to vector<16xf32>
        %swap3A_347 = arith.index_cast %scan3A_213 : i32 to index
        %swap3A_348 = arith.constant 208 : index
        %swap3A_349 = tpu.vector_load %arg8[%swap3A_347, %swap3A_348] {strides = array<i32>} : memref<32x768xf32, #tpu.memory_space<vmem>>, vector<1x16xf32>,
        %swap3A_350 = vector.shape_cast %swap3A_349 : vector<1x16xf32> to vector<16xf32>
        %swap3A_351 = vector.shape_cast %get3A_346 : vector<16xf32> to vector<1x16xf32>
        tpu.vector_store %arg8[%swap3A_347, %swap3A_348], %swap3A_351 {add = true, strides = array<i32>} : memref<32x768xf32, #tpu.memory_space<vmem>>, vector<1x16xf32>,
        %add3A_352 = arith.constant 224 : i32
        %add3A_353 = arith.addi %mul3A_67, %add3A_352 : i32
        %get3A_354 = arith.index_cast %add3A_353 : i32 to index
        %get3A_355 = tpu.vector_load %arg7[%get3A_354] {strides = array<i32>} : memref<59136xf32, #tpu.memory_space<vmem>>, vector<16xf32>,
        %get3A_356 = vector.shape_cast %get3A_355 : vector<16xf32> to vector<16xf32>
        %swap3A_357 = arith.index_cast %scan3A_213 : i32 to index
        %swap3A_358 = arith.constant 224 : index
        %swap3A_359 = tpu.vector_load %arg8[%swap3A_357, %swap3A_358] {strides = array<i32>} : memref<32x768xf32, #tpu.memory_space<vmem>>, vector<1x16xf32>,
        %swap3A_360 = vector.shape_cast %swap3A_359 : vector<1x16xf32> to vector<16xf32>
        %swap3A_361 = vector.shape_cast %get3A_356 : vector<16xf32> to vector<1x16xf32>
        tpu.vector_store %arg8[%swap3A_357, %swap3A_358], %swap3A_361 {add = true, strides = array<i32>} : memref<32x768xf32, #tpu.memory_space<vmem>>, vector<1x16xf32>,
        %add3A_362 = arith.constant 240 : i32
        %add3A_363 = arith.addi %mul3A_67, %add3A_362 : i32
        %get3A_364 = arith.index_cast %add3A_363 : i32 to index
        %get3A_365 = tpu.vector_load %arg7[%get3A_364] {strides = array<i32>} : memref<59136xf32, #tpu.memory_space<vmem>>, vector<16xf32>,
        %get3A_366 = vector.shape_cast %get3A_365 : vector<16xf32> to vector<16xf32>
        %swap3A_367 = arith.index_cast %scan3A_213 : i32 to index
        %swap3A_368 = arith.constant 240 : index
        %swap3A_369 = tpu.vector_load %arg8[%swap3A_367, %swap3A_368] {strides = array<i32>} : memref<32x768xf32, #tpu.memory_space<vmem>>, vector<1x16xf32>,
        %swap3A_370 = vector.shape_cast %swap3A_369 : vector<1x16xf32> to vector<16xf32>
        %swap3A_371 = vector.shape_cast %get3A_366 : vector<16xf32> to vector<1x16xf32>
        tpu.vector_store %arg8[%swap3A_367, %swap3A_368], %swap3A_371 {add = true, strides = array<i32>} : memref<32x768xf32, #tpu.memory_space<vmem>>, vector<1x16xf32>,
        %add3A_372 = arith.constant 256 : i32
        %add3A_373 = arith.addi %mul3A_67, %add3A_372 : i32
        %get3A_374 = arith.index_cast %add3A_373 : i32 to index
        %get3A_375 = tpu.vector_load %arg7[%get3A_374] {strides = array<i32>} : memref<59136xf32, #tpu.memory_space<vmem>>, vector<16xf32>,
        %get3A_376 = vector.shape_cast %get3A_375 : vector<16xf32> to vector<16xf32>
        %swap3A_377 = arith.index_cast %scan3A_213 : i32 to index
        %swap3A_378 = arith.constant 256 : index
        %swap3A_379 = tpu.vector_load %arg8[%swap3A_377, %swap3A_378] {strides = array<i32>} : memref<32x768xf32, #tpu.memory_space<vmem>>, vector<1x16xf32>,
        %swap3A_380 = vector.shape_cast %swap3A_379 : vector<1x16xf32> to vector<16xf32>
        %swap3A_381 = vector.shape_cast %get3A_376 : vector<16xf32> to vector<1x16xf32>
        tpu.vector_store %arg8[%swap3A_377, %swap3A_378], %swap3A_381 {add = true, strides = array<i32>} : memref<32x768xf32, #tpu.memory_space<vmem>>, vector<1x16xf32>,
        %add3A_382 = arith.constant 272 : i32
        %add3A_383 = arith.addi %mul3A_67, %add3A_382 : i32
        %get3A_384 = arith.index_cast %add3A_383 : i32 to index
        %get3A_385 = tpu.vector_load %arg7[%get3A_384] {strides = array<i32>} : memref<59136xf32, #tpu.memory_space<vmem>>, vector<16xf32>,
        %get3A_386 = vector.shape_cast %get3A_385 : vector<16xf32> to vector<16xf32>
        %swap3A_387 = arith.index_cast %scan3A_213 : i32 to index
        %swap3A_388 = arith.constant 272 : index
        %swap3A_389 = tpu.vector_load %arg8[%swap3A_387, %swap3A_388] {strides = array<i32>} : memref<32x768xf32, #tpu.memory_space<vmem>>, vector<1x16xf32>,
        %swap3A_390 = vector.shape_cast %swap3A_389 : vector<1x16xf32> to vector<16xf32>
        %swap3A_391 = vector.shape_cast %get3A_386 : vector<16xf32> to vector<1x16xf32>
        tpu.vector_store %arg8[%swap3A_387, %swap3A_388], %swap3A_391 {add = true, strides = array<i32>} : memref<32x768xf32, #tpu.memory_space<vmem>>, vector<1x16xf32>,
        %add3A_392 = arith.constant 288 : i32
        %add3A_393 = arith.addi %mul3A_67, %add3A_392 : i32
        %get3A_394 = arith.index_cast %add3A_393 : i32 to index
        %get3A_395 = tpu.vector_load %arg7[%get3A_394] {strides = array<i32>} : memref<59136xf32, #tpu.memory_space<vmem>>, vector<16xf32>,
        %get3A_396 = vector.shape_cast %get3A_395 : vector<16xf32> to vector<16xf32>
        %swap3A_397 = arith.index_cast %scan3A_213 : i32 to index
        %swap3A_398 = arith.constant 288 : index
        %swap3A_399 = tpu.vector_load %arg8[%swap3A_397, %swap3A_398] {strides = array<i32>} : memref<32x768xf32, #tpu.memory_space<vmem>>, vector<1x16xf32>,
        %swap3A_400 = vector.shape_cast %swap3A_399 : vector<1x16xf32> to vector<16xf32>
        %swap3A_401 = vector.shape_cast %get3A_396 : vector<16xf32> to vector<1x16xf32>
        tpu.vector_store %arg8[%swap3A_397, %swap3A_398], %swap3A_401 {add = true, strides = array<i32>} : memref<32x768xf32, #tpu.memory_space<vmem>>, vector<1x16xf32>,
        %add3A_402 = arith.constant 304 : i32
        %add3A_403 = arith.addi %mul3A_67, %add3A_402 : i32
        %get3A_404 = arith.index_cast %add3A_403 : i32 to index
        %get3A_405 = tpu.vector_load %arg7[%get3A_404] {strides = array<i32>} : memref<59136xf32, #tpu.memory_space<vmem>>, vector<16xf32>,
        %get3A_406 = vector.shape_cast %get3A_405 : vector<16xf32> to vector<16xf32>
        %swap3A_407 = arith.index_cast %scan3A_213 : i32 to index
        %swap3A_408 = arith.constant 304 : index
        %swap3A_409 = tpu.vector_load %arg8[%swap3A_407, %swap3A_408] {strides = array<i32>} : memref<32x768xf32, #tpu.memory_space<vmem>>, vector<1x16xf32>,
        %swap3A_410 = vector.shape_cast %swap3A_409 : vector<1x16xf32> to vector<16xf32>
        %swap3A_411 = vector.shape_cast %get3A_406 : vector<16xf32> to vector<1x16xf32>
        tpu.vector_store %arg8[%swap3A_407, %swap3A_408], %swap3A_411 {add = true, strides = array<i32>} : memref<32x768xf32, #tpu.memory_space<vmem>>, vector<1x16xf32>,
        %add3A_412 = arith.constant 320 : i32
        %add3A_413 = arith.addi %mul3A_67, %add3A_412 : i32
        %get3A_414 = arith.index_cast %add3A_413 : i32 to index
        %get3A_415 = tpu.vector_load %arg7[%get3A_414] {strides = array<i32>} : memref<59136xf32, #tpu.memory_space<vmem>>, vector<16xf32>,
        %get3A_416 = vector.shape_cast %get3A_415 : vector<16xf32> to vector<16xf32>
        %swap3A_417 = arith.index_cast %scan3A_213 : i32 to index
        %swap3A_418 = arith.constant 320 : index
        %swap3A_419 = tpu.vector_load %arg8[%swap3A_417, %swap3A_418] {strides = array<i32>} : memref<32x768xf32, #tpu.memory_space<vmem>>, vector<1x16xf32>,
        %swap3A_420 = vector.shape_cast %swap3A_419 : vector<1x16xf32> to vector<16xf32>
        %swap3A_421 = vector.shape_cast %get3A_416 : vector<16xf32> to vector<1x16xf32>
        tpu.vector_store %arg8[%swap3A_417, %swap3A_418], %swap3A_421 {add = true, strides = array<i32>} : memref<32x768xf32, #tpu.memory_space<vmem>>, vector<1x16xf32>,
        %add3A_422 = arith.constant 336 : i32
        %add3A_423 = arith.addi %mul3A_67, %add3A_422 : i32
        %get3A_424 = arith.index_cast %add3A_423 : i32 to index
        %get3A_425 = tpu.vector_load %arg7[%get3A_424] {strides = array<i32>} : memref<59136xf32, #tpu.memory_space<vmem>>, vector<16xf32>,
        %get3A_426 = vector.shape_cast %get3A_425 : vector<16xf32> to vector<16xf32>
        %swap3A_427 = arith.index_cast %scan3A_213 : i32 to index
        %swap3A_428 = arith.constant 336 : index
        %swap3A_429 = tpu.vector_load %arg8[%swap3A_427, %swap3A_428] {strides = array<i32>} : memref<32x768xf32, #tpu.memory_space<vmem>>, vector<1x16xf32>,
        %swap3A_430 = vector.shape_cast %swap3A_429 : vector<1x16xf32> to vector<16xf32>
        %swap3A_431 = vector.shape_cast %get3A_426 : vector<16xf32> to vector<1x16xf32>
        tpu.vector_store %arg8[%swap3A_427, %swap3A_428], %swap3A_431 {add = true, strides = array<i32>} : memref<32x768xf32, #tpu.memory_space<vmem>>, vector<1x16xf32>,
        %add3A_432 = arith.constant 352 : i32
        %add3A_433 = arith.addi %mul3A_67, %add3A_432 : i32
        %get3A_434 = arith.index_cast %add3A_433 : i32 to index
        %get3A_435 = tpu.vector_load %arg7[%get3A_434] {strides = array<i32>} : memref<59136xf32, #tpu.memory_space<vmem>>, vector<16xf32>,
        %get3A_436 = vector.shape_cast %get3A_435 : vector<16xf32> to vector<16xf32>
        %swap3A_437 = arith.index_cast %scan3A_213 : i32 to index
        %swap3A_438 = arith.constant 352 : index
        %swap3A_439 = tpu.vector_load %arg8[%swap3A_437, %swap3A_438] {strides = array<i32>} : memref<32x768xf32, #tpu.memory_space<vmem>>, vector<1x16xf32>,
        %swap3A_440 = vector.shape_cast %swap3A_439 : vector<1x16xf32> to vector<16xf32>
        %swap3A_441 = vector.shape_cast %get3A_436 : vector<16xf32> to vector<1x16xf32>
        tpu.vector_store %arg8[%swap3A_437, %swap3A_438], %swap3A_441 {add = true, strides = array<i32>} : memref<32x768xf32, #tpu.memory_space<vmem>>, vector<1x16xf32>,
        %add3A_442 = arith.constant 368 : i32
        %add3A_443 = arith.addi %mul3A_67, %add3A_442 : i32
        %get3A_444 = arith.index_cast %add3A_443 : i32 to index
        %get3A_445 = tpu.vector_load %arg7[%get3A_444] {strides = array<i32>} : memref<59136xf32, #tpu.memory_space<vmem>>, vector<16xf32>,
        %get3A_446 = vector.shape_cast %get3A_445 : vector<16xf32> to vector<16xf32>
        %swap3A_447 = arith.index_cast %scan3A_213 : i32 to index
        %swap3A_448 = arith.constant 368 : index
        %swap3A_449 = tpu.vector_load %arg8[%swap3A_447, %swap3A_448] {strides = array<i32>} : memref<32x768xf32, #tpu.memory_space<vmem>>, vector<1x16xf32>,
        %swap3A_450 = vector.shape_cast %swap3A_449 : vector<1x16xf32> to vector<16xf32>
        %swap3A_451 = vector.shape_cast %get3A_446 : vector<16xf32> to vector<1x16xf32>
        tpu.vector_store %arg8[%swap3A_447, %swap3A_448], %swap3A_451 {add = true, strides = array<i32>} : memref<32x768xf32, #tpu.memory_space<vmem>>, vector<1x16xf32>,
        %add3A_452 = arith.constant 384 : i32
        %add3A_453 = arith.addi %mul3A_67, %add3A_452 : i32
        %get3A_454 = arith.index_cast %add3A_453 : i32 to index
        %get3A_455 = tpu.vector_load %arg7[%get3A_454] {strides = array<i32>} : memref<59136xf32, #tpu.memory_space<vmem>>, vector<16xf32>,
        %get3A_456 = vector.shape_cast %get3A_455 : vector<16xf32> to vector<16xf32>
        %swap3A_457 = arith.index_cast %scan3A_213 : i32 to index
        %swap3A_458 = arith.constant 384 : index
        %swap3A_459 = tpu.vector_load %arg8[%swap3A_457, %swap3A_458] {strides = array<i32>} : memref<32x768xf32, #tpu.memory_space<vmem>>, vector<1x16xf32>,
        %swap3A_460 = vector.shape_cast %swap3A_459 : vector<1x16xf32> to vector<16xf32>
        %swap3A_461 = vector.shape_cast %get3A_456 : vector<16xf32> to vector<1x16xf32>
        tpu.vector_store %arg8[%swap3A_457, %swap3A_458], %swap3A_461 {add = true, strides = array<i32>} : memref<32x768xf32, #tpu.memory_space<vmem>>, vector<1x16xf32>,
        %add3A_462 = arith.constant 400 : i32
        %add3A_463 = arith.addi %mul3A_67, %add3A_462 : i32
        %get3A_464 = arith.index_cast %add3A_463 : i32 to index
        %get3A_465 = tpu.vector_load %arg7[%get3A_464] {strides = array<i32>} : memref<59136xf32, #tpu.memory_space<vmem>>, vector<16xf32>,
        %get3A_466 = vector.shape_cast %get3A_465 : vector<16xf32> to vector<16xf32>
        %swap3A_467 = arith.index_cast %scan3A_213 : i32 to index
        %swap3A_468 = arith.constant 400 : index
        %swap3A_469 = tpu.vector_load %arg8[%swap3A_467, %swap3A_468] {strides = array<i32>} : memref<32x768xf32, #tpu.memory_space<vmem>>, vector<1x16xf32>,
        %swap3A_470 = vector.shape_cast %swap3A_469 : vector<1x16xf32> to vector<16xf32>
        %swap3A_471 = vector.shape_cast %get3A_466 : vector<16xf32> to vector<1x16xf32>
        tpu.vector_store %arg8[%swap3A_467, %swap3A_468], %swap3A_471 {add = true, strides = array<i32>} : memref<32x768xf32, #tpu.memory_space<vmem>>, vector<1x16xf32>,
        %add3A_472 = arith.constant 416 : i32
        %add3A_473 = arith.addi %mul3A_67, %add3A_472 : i32
        %get3A_474 = arith.index_cast %add3A_473 : i32 to index
        %get3A_475 = tpu.vector_load %arg7[%get3A_474] {strides = array<i32>} : memref<59136xf32, #tpu.memory_space<vmem>>, vector<16xf32>,
        %get3A_476 = vector.shape_cast %get3A_475 : vector<16xf32> to vector<16xf32>
        %swap3A_477 = arith.index_cast %scan3A_213 : i32 to index
        %swap3A_478 = arith.constant 416 : index
        %swap3A_479 = tpu.vector_load %arg8[%swap3A_477, %swap3A_478] {strides = array<i32>} : memref<32x768xf32, #tpu.memory_space<vmem>>, vector<1x16xf32>,
        %swap3A_480 = vector.shape_cast %swap3A_479 : vector<1x16xf32> to vector<16xf32>
        %swap3A_481 = vector.shape_cast %get3A_476 : vector<16xf32> to vector<1x16xf32>
        tpu.vector_store %arg8[%swap3A_477, %swap3A_478], %swap3A_481 {add = true, strides = array<i32>} : memref<32x768xf32, #tpu.memory_space<vmem>>, vector<1x16xf32>,
        %add3A_482 = arith.constant 432 : i32
        %add3A_483 = arith.addi %mul3A_67, %add3A_482 : i32
        %get3A_484 = arith.index_cast %add3A_483 : i32 to index
        %get3A_485 = tpu.vector_load %arg7[%get3A_484] {strides = array<i32>} : memref<59136xf32, #tpu.memory_space<vmem>>, vector<16xf32>,
        %get3A_486 = vector.shape_cast %get3A_485 : vector<16xf32> to vector<16xf32>
        %swap3A_487 = arith.index_cast %scan3A_213 : i32 to index
        %swap3A_488 = arith.constant 432 : index
        %swap3A_489 = tpu.vector_load %arg8[%swap3A_487, %swap3A_488] {strides = array<i32>} : memref<32x768xf32, #tpu.memory_space<vmem>>, vector<1x16xf32>,
        %swap3A_490 = vector.shape_cast %swap3A_489 : vector<1x16xf32> to vector<16xf32>
        %swap3A_491 = vector.shape_cast %get3A_486 : vector<16xf32> to vector<1x16xf32>
        tpu.vector_store %arg8[%swap3A_487, %swap3A_488], %swap3A_491 {add = true, strides = array<i32>} : memref<32x768xf32, #tpu.memory_space<vmem>>, vector<1x16xf32>,
        %add3A_492 = arith.constant 448 : i32
        %add3A_493 = arith.addi %mul3A_67, %add3A_492 : i32
        %get3A_494 = arith.index_cast %add3A_493 : i32 to index
        %get3A_495 = tpu.vector_load %arg7[%get3A_494] {strides = array<i32>} : memref<59136xf32, #tpu.memory_space<vmem>>, vector<16xf32>,
        %get3A_496 = vector.shape_cast %get3A_495 : vector<16xf32> to vector<16xf32>
        %swap3A_497 = arith.index_cast %scan3A_213 : i32 to index
        %swap3A_498 = arith.constant 448 : index
        %swap3A_499 = tpu.vector_load %arg8[%swap3A_497, %swap3A_498] {strides = array<i32>} : memref<32x768xf32, #tpu.memory_space<vmem>>, vector<1x16xf32>,
        %swap3A_500 = vector.shape_cast %swap3A_499 : vector<1x16xf32> to vector<16xf32>
        %swap3A_501 = vector.shape_cast %get3A_496 : vector<16xf32> to vector<1x16xf32>
        tpu.vector_store %arg8[%swap3A_497, %swap3A_498], %swap3A_501 {add = true, strides = array<i32>} : memref<32x768xf32, #tpu.memory_space<vmem>>, vector<1x16xf32>,
        %add3A_502 = arith.constant 464 : i32
        %add3A_503 = arith.addi %mul3A_67, %add3A_502 : i32
        %get3A_504 = arith.index_cast %add3A_503 : i32 to index
        %get3A_505 = tpu.vector_load %arg7[%get3A_504] {strides = array<i32>} : memref<59136xf32, #tpu.memory_space<vmem>>, vector<16xf32>,
        %get3A_506 = vector.shape_cast %get3A_505 : vector<16xf32> to vector<16xf32>
        %swap3A_507 = arith.index_cast %scan3A_213 : i32 to index
        %swap3A_508 = arith.constant 464 : index
        %swap3A_509 = tpu.vector_load %arg8[%swap3A_507, %swap3A_508] {strides = array<i32>} : memref<32x768xf32, #tpu.memory_space<vmem>>, vector<1x16xf32>,
        %swap3A_510 = vector.shape_cast %swap3A_509 : vector<1x16xf32> to vector<16xf32>
        %swap3A_511 = vector.shape_cast %get3A_506 : vector<16xf32> to vector<1x16xf32>
        tpu.vector_store %arg8[%swap3A_507, %swap3A_508], %swap3A_511 {add = true, strides = array<i32>} : memref<32x768xf32, #tpu.memory_space<vmem>>, vector<1x16xf32>,
        %add3A_512 = arith.constant 480 : i32
        %add3A_513 = arith.addi %mul3A_67, %add3A_512 : i32
        %get3A_514 = arith.index_cast %add3A_513 : i32 to index
        %get3A_515 = tpu.vector_load %arg7[%get3A_514] {strides = array<i32>} : memref<59136xf32, #tpu.memory_space<vmem>>, vector<16xf32>,
        %get3A_516 = vector.shape_cast %get3A_515 : vector<16xf32> to vector<16xf32>
        %swap3A_517 = arith.index_cast %scan3A_213 : i32 to index
        %swap3A_518 = arith.constant 480 : index
        %swap3A_519 = tpu.vector_load %arg8[%swap3A_517, %swap3A_518] {strides = array<i32>} : memref<32x768xf32, #tpu.memory_space<vmem>>, vector<1x16xf32>,
        %swap3A_520 = vector.shape_cast %swap3A_519 : vector<1x16xf32> to vector<16xf32>
        %swap3A_521 = vector.shape_cast %get3A_516 : vector<16xf32> to vector<1x16xf32>
        tpu.vector_store %arg8[%swap3A_517, %swap3A_518], %swap3A_521 {add = true, strides = array<i32>} : memref<32x768xf32, #tpu.memory_space<vmem>>, vector<1x16xf32>,
        %add3A_522 = arith.constant 496 : i32
        %add3A_523 = arith.addi %mul3A_67, %add3A_522 : i32
        %get3A_524 = arith.index_cast %add3A_523 : i32 to index
        %get3A_525 = tpu.vector_load %arg7[%get3A_524] {strides = array<i32>} : memref<59136xf32, #tpu.memory_space<vmem>>, vector<16xf32>,
        %get3A_526 = vector.shape_cast %get3A_525 : vector<16xf32> to vector<16xf32>
        %swap3A_527 = arith.index_cast %scan3A_213 : i32 to index
        %swap3A_528 = arith.constant 496 : index
        %swap3A_529 = tpu.vector_load %arg8[%swap3A_527, %swap3A_528] {strides = array<i32>} : memref<32x768xf32, #tpu.memory_space<vmem>>, vector<1x16xf32>,
        %swap3A_530 = vector.shape_cast %swap3A_529 : vector<1x16xf32> to vector<16xf32>
        %swap3A_531 = vector.shape_cast %get3A_526 : vector<16xf32> to vector<1x16xf32>
        tpu.vector_store %arg8[%swap3A_527, %swap3A_528], %swap3A_531 {add = true, strides = array<i32>} : memref<32x768xf32, #tpu.memory_space<vmem>>, vector<1x16xf32>,
        %add3A_532 = arith.constant 512 : i32
        %add3A_533 = arith.addi %mul3A_67, %add3A_532 : i32
        %get3A_534 = arith.index_cast %add3A_533 : i32 to index
        %get3A_535 = tpu.vector_load %arg7[%get3A_534] {strides = array<i32>} : memref<59136xf32, #tpu.memory_space<vmem>>, vector<16xf32>,
        %get3A_536 = vector.shape_cast %get3A_535 : vector<16xf32> to vector<16xf32>
        %swap3A_537 = arith.index_cast %scan3A_213 : i32 to index
        %swap3A_538 = arith.constant 512 : index
        %swap3A_539 = tpu.vector_load %arg8[%swap3A_537, %swap3A_538] {strides = array<i32>} : memref<32x768xf32, #tpu.memory_space<vmem>>, vector<1x16xf32>,
        %swap3A_540 = vector.shape_cast %swap3A_539 : vector<1x16xf32> to vector<16xf32>
        %swap3A_541 = vector.shape_cast %get3A_536 : vector<16xf32> to vector<1x16xf32>
        tpu.vector_store %arg8[%swap3A_537, %swap3A_538], %swap3A_541 {add = true, strides = array<i32>} : memref<32x768xf32, #tpu.memory_space<vmem>>, vector<1x16xf32>,
        %add3A_542 = arith.constant 528 : i32
        %add3A_543 = arith.addi %mul3A_67, %add3A_542 : i32
        %get3A_544 = arith.index_cast %add3A_543 : i32 to index
        %get3A_545 = tpu.vector_load %arg7[%get3A_544] {strides = array<i32>} : memref<59136xf32, #tpu.memory_space<vmem>>, vector<16xf32>,
        %get3A_546 = vector.shape_cast %get3A_545 : vector<16xf32> to vector<16xf32>
        %swap3A_547 = arith.index_cast %scan3A_213 : i32 to index
        %swap3A_548 = arith.constant 528 : index
        %swap3A_549 = tpu.vector_load %arg8[%swap3A_547, %swap3A_548] {strides = array<i32>} : memref<32x768xf32, #tpu.memory_space<vmem>>, vector<1x16xf32>,
        %swap3A_550 = vector.shape_cast %swap3A_549 : vector<1x16xf32> to vector<16xf32>
        %swap3A_551 = vector.shape_cast %get3A_546 : vector<16xf32> to vector<1x16xf32>
        tpu.vector_store %arg8[%swap3A_547, %swap3A_548], %swap3A_551 {add = true, strides = array<i32>} : memref<32x768xf32, #tpu.memory_space<vmem>>, vector<1x16xf32>,
        %add3A_552 = arith.constant 544 : i32
        %add3A_553 = arith.addi %mul3A_67, %add3A_552 : i32
        %get3A_554 = arith.index_cast %add3A_553 : i32 to index
        %get3A_555 = tpu.vector_load %arg7[%get3A_554] {strides = array<i32>} : memref<59136xf32, #tpu.memory_space<vmem>>, vector<16xf32>,
        %get3A_556 = vector.shape_cast %get3A_555 : vector<16xf32> to vector<16xf32>
        %swap3A_557 = arith.index_cast %scan3A_213 : i32 to index
        %swap3A_558 = arith.constant 544 : index
        %swap3A_559 = tpu.vector_load %arg8[%swap3A_557, %swap3A_558] {strides = array<i32>} : memref<32x768xf32, #tpu.memory_space<vmem>>, vector<1x16xf32>,
        %swap3A_560 = vector.shape_cast %swap3A_559 : vector<1x16xf32> to vector<16xf32>
        %swap3A_561 = vector.shape_cast %get3A_556 : vector<16xf32> to vector<1x16xf32>
        tpu.vector_store %arg8[%swap3A_557, %swap3A_558], %swap3A_561 {add = true, strides = array<i32>} : memref<32x768xf32, #tpu.memory_space<vmem>>, vector<1x16xf32>,
        %add3A_562 = arith.constant 560 : i32
        %add3A_563 = arith.addi %mul3A_67, %add3A_562 : i32
        %get3A_564 = arith.index_cast %add3A_563 : i32 to index
        %get3A_565 = tpu.vector_load %arg7[%get3A_564] {strides = array<i32>} : memref<59136xf32, #tpu.memory_space<vmem>>, vector<16xf32>,
        %get3A_566 = vector.shape_cast %get3A_565 : vector<16xf32> to vector<16xf32>
        %swap3A_567 = arith.index_cast %scan3A_213 : i32 to index
        %swap3A_568 = arith.constant 560 : index
        %swap3A_569 = tpu.vector_load %arg8[%swap3A_567, %swap3A_568] {strides = array<i32>} : memref<32x768xf32, #tpu.memory_space<vmem>>, vector<1x16xf32>,
        %swap3A_570 = vector.shape_cast %swap3A_569 : vector<1x16xf32> to vector<16xf32>
        %swap3A_571 = vector.shape_cast %get3A_566 : vector<16xf32> to vector<1x16xf32>
        tpu.vector_store %arg8[%swap3A_567, %swap3A_568], %swap3A_571 {add = true, strides = array<i32>} : memref<32x768xf32, #tpu.memory_space<vmem>>, vector<1x16xf32>,
        %add3A_572 = arith.constant 576 : i32
        %add3A_573 = arith.addi %mul3A_67, %add3A_572 : i32
        %get3A_574 = arith.index_cast %add3A_573 : i32 to index
        %get3A_575 = tpu.vector_load %arg7[%get3A_574] {strides = array<i32>} : memref<59136xf32, #tpu.memory_space<vmem>>, vector<16xf32>,
        %get3A_576 = vector.shape_cast %get3A_575 : vector<16xf32> to vector<16xf32>
        %swap3A_577 = arith.index_cast %scan3A_213 : i32 to index
        %swap3A_578 = arith.constant 576 : index
        %swap3A_579 = tpu.vector_load %arg8[%swap3A_577, %swap3A_578] {strides = array<i32>} : memref<32x768xf32, #tpu.memory_space<vmem>>, vector<1x16xf32>,
        %swap3A_580 = vector.shape_cast %swap3A_579 : vector<1x16xf32> to vector<16xf32>
        %swap3A_581 = vector.shape_cast %get3A_576 : vector<16xf32> to vector<1x16xf32>
        tpu.vector_store %arg8[%swap3A_577, %swap3A_578], %swap3A_581 {add = true, strides = array<i32>} : memref<32x768xf32, #tpu.memory_space<vmem>>, vector<1x16xf32>,
        %add3A_582 = arith.constant 592 : i32
        %add3A_583 = arith.addi %mul3A_67, %add3A_582 : i32
        %get3A_584 = arith.index_cast %add3A_583 : i32 to index
        %get3A_585 = tpu.vector_load %arg7[%get3A_584] {strides = array<i32>} : memref<59136xf32, #tpu.memory_space<vmem>>, vector<16xf32>,
        %get3A_586 = vector.shape_cast %get3A_585 : vector<16xf32> to vector<16xf32>
        %swap3A_587 = arith.index_cast %scan3A_213 : i32 to index
        %swap3A_588 = arith.constant 592 : index
        %swap3A_589 = tpu.vector_load %arg8[%swap3A_587, %swap3A_588] {strides = array<i32>} : memref<32x768xf32, #tpu.memory_space<vmem>>, vector<1x16xf32>,
        %swap3A_590 = vector.shape_cast %swap3A_589 : vector<1x16xf32> to vector<16xf32>
        %swap3A_591 = vector.shape_cast %get3A_586 : vector<16xf32> to vector<1x16xf32>
        tpu.vector_store %arg8[%swap3A_587, %swap3A_588], %swap3A_591 {add = true, strides = array<i32>} : memref<32x768xf32, #tpu.memory_space<vmem>>, vector<1x16xf32>,
        %add3A_592 = arith.constant 608 : i32
        %add3A_593 = arith.addi %mul3A_67, %add3A_592 : i32
        %get3A_594 = arith.index_cast %add3A_593 : i32 to index
        %get3A_595 = tpu.vector_load %arg7[%get3A_594] {strides = array<i32>} : memref<59136xf32, #tpu.memory_space<vmem>>, vector<16xf32>,
        %get3A_596 = vector.shape_cast %get3A_595 : vector<16xf32> to vector<16xf32>
        %swap3A_597 = arith.index_cast %scan3A_213 : i32 to index
        %swap3A_598 = arith.constant 608 : index
        %swap3A_599 = tpu.vector_load %arg8[%swap3A_597, %swap3A_598] {strides = array<i32>} : memref<32x768xf32, #tpu.memory_space<vmem>>, vector<1x16xf32>,
        %swap3A_600 = vector.shape_cast %swap3A_599 : vector<1x16xf32> to vector<16xf32>
        %swap3A_601 = vector.shape_cast %get3A_596 : vector<16xf32> to vector<1x16xf32>
        tpu.vector_store %arg8[%swap3A_597, %swap3A_598], %swap3A_601 {add = true, strides = array<i32>} : memref<32x768xf32, #tpu.memory_space<vmem>>, vector<1x16xf32>,
        %add3A_602 = arith.constant 624 : i32
        %add3A_603 = arith.addi %mul3A_67, %add3A_602 : i32
        %get3A_604 = arith.index_cast %add3A_603 : i32 to index
        %get3A_605 = tpu.vector_load %arg7[%get3A_604] {strides = array<i32>} : memref<59136xf32, #tpu.memory_space<vmem>>, vector<16xf32>,
        %get3A_606 = vector.shape_cast %get3A_605 : vector<16xf32> to vector<16xf32>
        %swap3A_607 = arith.index_cast %scan3A_213 : i32 to index
        %swap3A_608 = arith.constant 624 : index
        %swap3A_609 = tpu.vector_load %arg8[%swap3A_607, %swap3A_608] {strides = array<i32>} : memref<32x768xf32, #tpu.memory_space<vmem>>, vector<1x16xf32>,
        %swap3A_610 = vector.shape_cast %swap3A_609 : vector<1x16xf32> to vector<16xf32>
        %swap3A_611 = vector.shape_cast %get3A_606 : vector<16xf32> to vector<1x16xf32>
        tpu.vector_store %arg8[%swap3A_607, %swap3A_608], %swap3A_611 {add = true, strides = array<i32>} : memref<32x768xf32, #tpu.memory_space<vmem>>, vector<1x16xf32>,
        %add3A_612 = arith.constant 640 : i32
        %add3A_613 = arith.addi %mul3A_67, %add3A_612 : i32
        %get3A_614 = arith.index_cast %add3A_613 : i32 to index
        %get3A_615 = tpu.vector_load %arg7[%get3A_614] {strides = array<i32>} : memref<59136xf32, #tpu.memory_space<vmem>>, vector<16xf32>,
        %get3A_616 = vector.shape_cast %get3A_615 : vector<16xf32> to vector<16xf32>
        %swap3A_617 = arith.index_cast %scan3A_213 : i32 to index
        %swap3A_618 = arith.constant 640 : index
        %swap3A_619 = tpu.vector_load %arg8[%swap3A_617, %swap3A_618] {strides = array<i32>} : memref<32x768xf32, #tpu.memory_space<vmem>>, vector<1x16xf32>,
        %swap3A_620 = vector.shape_cast %swap3A_619 : vector<1x16xf32> to vector<16xf32>
        %swap3A_621 = vector.shape_cast %get3A_616 : vector<16xf32> to vector<1x16xf32>
        tpu.vector_store %arg8[%swap3A_617, %swap3A_618], %swap3A_621 {add = true, strides = array<i32>} : memref<32x768xf32, #tpu.memory_space<vmem>>, vector<1x16xf32>,
        %add3A_622 = arith.constant 656 : i32
        %add3A_623 = arith.addi %mul3A_67, %add3A_622 : i32
        %get3A_624 = arith.index_cast %add3A_623 : i32 to index
        %get3A_625 = tpu.vector_load %arg7[%get3A_624] {strides = array<i32>} : memref<59136xf32, #tpu.memory_space<vmem>>, vector<16xf32>,
        %get3A_626 = vector.shape_cast %get3A_625 : vector<16xf32> to vector<16xf32>
        %swap3A_627 = arith.index_cast %scan3A_213 : i32 to index
        %swap3A_628 = arith.constant 656 : index
        %swap3A_629 = tpu.vector_load %arg8[%swap3A_627, %swap3A_628] {strides = array<i32>} : memref<32x768xf32, #tpu.memory_space<vmem>>, vector<1x16xf32>,
        %swap3A_630 = vector.shape_cast %swap3A_629 : vector<1x16xf32> to vector<16xf32>
        %swap3A_631 = vector.shape_cast %get3A_626 : vector<16xf32> to vector<1x16xf32>
        tpu.vector_store %arg8[%swap3A_627, %swap3A_628], %swap3A_631 {add = true, strides = array<i32>} : memref<32x768xf32, #tpu.memory_space<vmem>>, vector<1x16xf32>,
        %add3A_632 = arith.constant 672 : i32
        %add3A_633 = arith.addi %mul3A_67, %add3A_632 : i32
        %get3A_634 = arith.index_cast %add3A_633 : i32 to index
        %get3A_635 = tpu.vector_load %arg7[%get3A_634] {strides = array<i32>} : memref<59136xf32, #tpu.memory_space<vmem>>, vector<16xf32>,
        %get3A_636 = vector.shape_cast %get3A_635 : vector<16xf32> to vector<16xf32>
        %swap3A_637 = arith.index_cast %scan3A_213 : i32 to index
        %swap3A_638 = arith.constant 672 : index
        %swap3A_639 = tpu.vector_load %arg8[%swap3A_637, %swap3A_638] {strides = array<i32>} : memref<32x768xf32, #tpu.memory_space<vmem>>, vector<1x16xf32>,
        %swap3A_640 = vector.shape_cast %swap3A_639 : vector<1x16xf32> to vector<16xf32>
        %swap3A_641 = vector.shape_cast %get3A_636 : vector<16xf32> to vector<1x16xf32>
        tpu.vector_store %arg8[%swap3A_637, %swap3A_638], %swap3A_641 {add = true, strides = array<i32>} : memref<32x768xf32, #tpu.memory_space<vmem>>, vector<1x16xf32>,
        %add3A_642 = arith.constant 688 : i32
        %add3A_643 = arith.addi %mul3A_67, %add3A_642 : i32
        %get3A_644 = arith.index_cast %add3A_643 : i32 to index
        %get3A_645 = tpu.vector_load %arg7[%get3A_644] {strides = array<i32>} : memref<59136xf32, #tpu.memory_space<vmem>>, vector<16xf32>,
        %get3A_646 = vector.shape_cast %get3A_645 : vector<16xf32> to vector<16xf32>
        %swap3A_647 = arith.index_cast %scan3A_213 : i32 to index
        %swap3A_648 = arith.constant 688 : index
        %swap3A_649 = tpu.vector_load %arg8[%swap3A_647, %swap3A_648] {strides = array<i32>} : memref<32x768xf32, #tpu.memory_space<vmem>>, vector<1x16xf32>,
        %swap3A_650 = vector.shape_cast %swap3A_649 : vector<1x16xf32> to vector<16xf32>
        %swap3A_651 = vector.shape_cast %get3A_646 : vector<16xf32> to vector<1x16xf32>
        tpu.vector_store %arg8[%swap3A_647, %swap3A_648], %swap3A_651 {add = true, strides = array<i32>} : memref<32x768xf32, #tpu.memory_space<vmem>>, vector<1x16xf32>,
        %add3A_652 = arith.constant 704 : i32
        %add3A_653 = arith.addi %mul3A_67, %add3A_652 : i32
        %get3A_654 = arith.index_cast %add3A_653 : i32 to index
        %get3A_655 = tpu.vector_load %arg7[%get3A_654] {strides = array<i32>} : memref<59136xf32, #tpu.memory_space<vmem>>, vector<16xf32>,
        %get3A_656 = vector.shape_cast %get3A_655 : vector<16xf32> to vector<16xf32>
        %swap3A_657 = arith.index_cast %scan3A_213 : i32 to index
        %swap3A_658 = arith.constant 704 : index
        %swap3A_659 = tpu.vector_load %arg8[%swap3A_657, %swap3A_658] {strides = array<i32>} : memref<32x768xf32, #tpu.memory_space<vmem>>, vector<1x16xf32>,
        %swap3A_660 = vector.shape_cast %swap3A_659 : vector<1x16xf32> to vector<16xf32>
        %swap3A_661 = vector.shape_cast %get3A_656 : vector<16xf32> to vector<1x16xf32>
        tpu.vector_store %arg8[%swap3A_657, %swap3A_658], %swap3A_661 {add = true, strides = array<i32>} : memref<32x768xf32, #tpu.memory_space<vmem>>, vector<1x16xf32>,
        %add3A_662 = arith.constant 720 : i32
        %add3A_663 = arith.addi %mul3A_67, %add3A_662 : i32
        %get3A_664 = arith.index_cast %add3A_663 : i32 to index
        %get3A_665 = tpu.vector_load %arg7[%get3A_664] {strides = array<i32>} : memref<59136xf32, #tpu.memory_space<vmem>>, vector<16xf32>,
        %get3A_666 = vector.shape_cast %get3A_665 : vector<16xf32> to vector<16xf32>
        %swap3A_667 = arith.index_cast %scan3A_213 : i32 to index
        %swap3A_668 = arith.constant 720 : index
        %swap3A_669 = tpu.vector_load %arg8[%swap3A_667, %swap3A_668] {strides = array<i32>} : memref<32x768xf32, #tpu.memory_space<vmem>>, vector<1x16xf32>,
        %swap3A_670 = vector.shape_cast %swap3A_669 : vector<1x16xf32> to vector<16xf32>
        %swap3A_671 = vector.shape_cast %get3A_666 : vector<16xf32> to vector<1x16xf32>
        tpu.vector_store %arg8[%swap3A_667, %swap3A_668], %swap3A_671 {add = true, strides = array<i32>} : memref<32x768xf32, #tpu.memory_space<vmem>>, vector<1x16xf32>,
        %add3A_672 = arith.constant 736 : i32
        %add3A_673 = arith.addi %mul3A_67, %add3A_672 : i32
        %get3A_674 = arith.index_cast %add3A_673 : i32 to index
        %get3A_675 = tpu.vector_load %arg7[%get3A_674] {strides = array<i32>} : memref<59136xf32, #tpu.memory_space<vmem>>, vector<16xf32>,
        %get3A_676 = vector.shape_cast %get3A_675 : vector<16xf32> to vector<16xf32>
        %swap3A_677 = arith.index_cast %scan3A_213 : i32 to index
        %swap3A_678 = arith.constant 736 : index
        %swap3A_679 = tpu.vector_load %arg8[%swap3A_677, %swap3A_678] {strides = array<i32>} : memref<32x768xf32, #tpu.memory_space<vmem>>, vector<1x16xf32>,
        %swap3A_680 = vector.shape_cast %swap3A_679 : vector<1x16xf32> to vector<16xf32>
        %swap3A_681 = vector.shape_cast %get3A_676 : vector<16xf32> to vector<1x16xf32>
        tpu.vector_store %arg8[%swap3A_677, %swap3A_678], %swap3A_681 {add = true, strides = array<i32>} : memref<32x768xf32, #tpu.memory_space<vmem>>, vector<1x16xf32>,
        %add3A_682 = arith.constant 752 : i32
        %add3A_683 = arith.addi %mul3A_67, %add3A_682 : i32
        %get3A_684 = arith.index_cast %add3A_683 : i32 to index
        %get3A_685 = tpu.vector_load %arg7[%get3A_684] {strides = array<i32>} : memref<59136xf32, #tpu.memory_space<vmem>>, vector<16xf32>,
        %get3A_686 = vector.shape_cast %get3A_685 : vector<16xf32> to vector<16xf32>
        %swap3A_687 = arith.index_cast %scan3A_213 : i32 to index
        %swap3A_688 = arith.constant 752 : index
        %swap3A_689 = tpu.vector_load %arg8[%swap3A_687, %swap3A_688] {strides = array<i32>} : memref<32x768xf32, #tpu.memory_space<vmem>>, vector<1x16xf32>,
        %swap3A_690 = vector.shape_cast %swap3A_689 : vector<1x16xf32> to vector<16xf32>
        %swap3A_691 = vector.shape_cast %get3A_686 : vector<16xf32> to vector<1x16xf32>
        tpu.vector_store %arg8[%swap3A_687, %swap3A_688], %swap3A_691 {add = true, strides = array<i32>} : memref<32x768xf32, #tpu.memory_space<vmem>>, vector<1x16xf32>,
      }
      %scan3A_73 = arith.constant 32 : i32
      %jit3A_74 = arith.constant 4 : i32
      %div3A_75 = arith.divsi %mul3A_33, %jit3A_74 : i32
      %sign3A_76 = arith.constant 0 : i32
      %sign3A_77 = arith.cmpi sgt, %mul3A_33, %sign3A_76 : i32
      %sign3A_78 = arith.extui %sign3A_77 : i1 to i32
      %sign3A_79 = arith.constant 0 : i32
      %sign3A_80 = arith.cmpi slt, %mul3A_33, %sign3A_79 : i32
      %sign3A_81 = arith.extui %sign3A_80 : i1 to i32
      %sign3A_82 = arith.subi %sign3A_78, %sign3A_81 : i32
      %sign3A_83 = arith.constant 0 : i32
      %sign3A_84 = arith.cmpi sgt, %jit3A_74, %sign3A_83 : i32
      %sign3A_85 = arith.extui %sign3A_84 : i1 to i32
      %sign3A_86 = arith.constant 0 : i32
      %sign3A_87 = arith.cmpi slt, %jit3A_74, %sign3A_86 : i32
      %sign3A_88 = arith.extui %sign3A_87 : i1 to i32
      %sign3A_89 = arith.subi %sign3A_85, %sign3A_88 : i32
      %ne3A_90 = arith.cmpi ne, %sign3A_82, %sign3A_89 : i32
      %rem3A_91 = arith.remsi %mul3A_33, %jit3A_74 : i32
      %ne3A_92 = arith.constant 0 : i32
      %ne3A_93 = arith.cmpi ne, %rem3A_91, %ne3A_92 : i32
      %and3A_94 = arith.andi %ne3A_90, %ne3A_93 : i1
      %sub3A_95 = arith.constant 1 : i32
      %sub3A_96 = arith.subi %div3A_75, %sub3A_95 : i32
      %select_n3A_97 = arith.select %and3A_94, %sub3A_96, %div3A_75 : i32
      %jit3A_98 = arith.constant 4 : i32
      %eq3A = arith.constant 0 : i32
      %eq3A_99 = arith.cmpi eq, %jit3A_98, %eq3A : i32
      %jit3A_100 = arith.constant 1 : i32
      %select_n3A_101 = arith.select %eq3A_99, %jit3A_100, %jit3A_98 : i32
      %rem3A_102 = arith.remsi %mul3A_33, %select_n3A_101 : i32
      %ne3A_103 = arith.constant 0 : i32
      %ne3A_104 = arith.cmpi ne, %rem3A_102, %ne3A_103 : i32
      %lt3A = arith.constant 0 : i32
      %lt3A_105 = arith.cmpi slt, %rem3A_102, %lt3A : i32
      %lt3A_106 = arith.constant 0 : i32
      %lt3A_107 = arith.cmpi slt, %select_n3A_101, %lt3A_106 : i32
      %ne3A_108 = arith.xori %lt3A_105, %lt3A_107 : i1
      %and3A_109 = arith.andi %ne3A_108, %ne3A_104 : i1
      %add3A_110 = arith.addi %rem3A_102, %select_n3A_101 : i32
      %select_n3A_111 = arith.select %and3A_109, %add3A_110, %rem3A_102 : i32
      %mul3A_112 = arith.constant 32 : i32
      %mul3A_113 = arith.muli %select_n3A_111, %mul3A_112 : i32
      %add3A_114 = arith.addi %mul3A_4, %mul3A_113 : i32
      %dma_start3A_115 = arith.constant 0 : i32
      %dma_start3A_116 = tpu.memref_slice %arg5[%select_n3A_97, %add3A_114, %dma_start3A_115] : memref<77x4096x768xf32, #tpu.memory_space<hbm>> -> memref<1x32x768xf32, #tpu.memory_space<hbm>>
      %dma_start3A_117 = tpu.memref_squeeze %dma_start3A_116 : memref<1x32x768xf32, #tpu.memory_space<hbm>> -> memref<32x768xf32, #tpu.memory_space<hbm>>
      %dma_start3A_118 = arith.constant 0 : i32
      %dma_start3A_119 = tpu.memref_slice %arg5[%select_n3A_97, %add3A_114, %dma_start3A_118] : memref<77x4096x768xf32, #tpu.memory_space<hbm>> -> memref<1x32x768xf32, #tpu.memory_space<hbm>>
      %dma_start3A_120 = tpu.memref_squeeze %dma_start3A_119 : memref<1x32x768xf32, #tpu.memory_space<hbm>> -> memref<32x768xf32, #tpu.memory_space<hbm>>
      tpu.enqueue_dma source(%arg8 : memref<32x768xf32, #tpu.memory_space<vmem>>) target(%dma_start3A_120 : memref<32x768xf32, #tpu.memory_space<hbm>>) target_semaphore(%arg12 : memref<!tpu.dma_semaphore, #tpu.memory_space<semaphore_mem>>)
      %mul3A_121 = arith.constant 32 : i32
      %mul3A_122 = arith.muli %add3A_35, %mul3A_121 : i32
      %dma_wait3A_123 = tpu.memref_slice %arg6[%mul3A_122] : memref<9856xi32, #tpu.memory_space<vmem>> -> memref<32xi32, #tpu.memory_space<vmem>>
      %dma_wait3A_124 = arith.constant 0 : i32
      %dma_wait3A_125 = arith.constant 0 : i32
      %dma_wait3A_126 = tpu.memref_slice %arg3[%dma_wait3A_124, %dma_wait3A_125] : memref<49408x768xf32, #tpu.memory_space<hbm>> -> memref<49408x768xf32, #tpu.memory_space<hbm>>
      tpu.wait_indirect_dma semaphore(%arg11 : memref<!tpu.dma_semaphore, #tpu.memory_space<semaphore_mem>>) src(%dma_wait3A_126 : memref<49408x768xf32, #tpu.memory_space<hbm>>) dst(%arg9 : memref<32x768xf32, #tpu.memory_space<vmem>>)
      %lt3A_127 = arith.constant 153 : i32
      %lt3A_128 = arith.cmpi slt, %scan3A_31, %lt3A_127 : i32
      %convert_element_type3A_129 = arith.extui %lt3A_128 : i1 to i32
      %cond3A_130 = arith.constant 0 : i32
      %cond3A_131 = arith.cmpi ne, %convert_element_type3A_129, %cond3A_130 : i32
      scf.if %cond3A_131 {
        %jit3A_213 = arith.constant 4 : i32
        %div3A_214 = arith.divsi %mul3A_33, %jit3A_213 : i32
        %sign3A_215 = arith.constant 0 : i32
        %sign3A_216 = arith.cmpi sgt, %mul3A_33, %sign3A_215 : i32
        %sign3A_217 = arith.extui %sign3A_216 : i1 to i32
        %sign3A_218 = arith.constant 0 : i32
        %sign3A_219 = arith.cmpi slt, %mul3A_33, %sign3A_218 : i32
        %sign3A_220 = arith.extui %sign3A_219 : i1 to i32
        %sign3A_221 = arith.subi %sign3A_217, %sign3A_220 : i32
        %sign3A_222 = arith.constant 0 : i32
        %sign3A_223 = arith.cmpi sgt, %jit3A_213, %sign3A_222 : i32
        %sign3A_224 = arith.extui %sign3A_223 : i1 to i32
        %sign3A_225 = arith.constant 0 : i32
        %sign3A_226 = arith.cmpi slt, %jit3A_213, %sign3A_225 : i32
        %sign3A_227 = arith.extui %sign3A_226 : i1 to i32
        %sign3A_228 = arith.subi %sign3A_224, %sign3A_227 : i32
        %ne3A_229 = arith.cmpi ne, %sign3A_221, %sign3A_228 : i32
        %rem3A_230 = arith.remsi %mul3A_33, %jit3A_213 : i32
        %ne3A_231 = arith.constant 0 : i32
        %ne3A_232 = arith.cmpi ne, %rem3A_230, %ne3A_231 : i32
        %and3A_233 = arith.andi %ne3A_229, %ne3A_232 : i1
        %sub3A_234 = arith.constant 1 : i32
        %sub3A_235 = arith.subi %div3A_214, %sub3A_234 : i32
        %select_n3A_236 = arith.select %and3A_233, %sub3A_235, %div3A_214 : i32
        %jit3A_237 = arith.constant 4 : i32
        %eq3A_238 = arith.constant 0 : i32
        %eq3A_239 = arith.cmpi eq, %jit3A_237, %eq3A_238 : i32
        %jit3A_240 = arith.constant 1 : i32
        %select_n3A_241 = arith.select %eq3A_239, %jit3A_240, %jit3A_237 : i32
        %rem3A_242 = arith.remsi %mul3A_33, %select_n3A_241 : i32
        %ne3A_243 = arith.constant 0 : i32
        %ne3A_244 = arith.cmpi ne, %rem3A_242, %ne3A_243 : i32
        %lt3A_245 = arith.constant 0 : i32
        %lt3A_246 = arith.cmpi slt, %rem3A_242, %lt3A_245 : i32
        %lt3A_247 = arith.constant 0 : i32
        %lt3A_248 = arith.cmpi slt, %select_n3A_241, %lt3A_247 : i32
        %ne3A_249 = arith.xori %lt3A_246, %lt3A_248 : i1
        %and3A_250 = arith.andi %ne3A_249, %ne3A_244 : i1
        %add3A_251 = arith.addi %rem3A_242, %select_n3A_241 : i32
        %select_n3A_252 = arith.select %and3A_250, %add3A_251, %rem3A_242 : i32
        %mul3A_253 = arith.constant 32 : i32
        %mul3A_254 = arith.muli %select_n3A_252, %mul3A_253 : i32
        %add3A_255 = arith.addi %mul3A_4, %mul3A_254 : i32
        %dma_wait3A_256 = arith.constant 0 : i32
        %dma_wait3A_257 = tpu.memref_slice %arg5[%select_n3A_236, %add3A_255, %dma_wait3A_256] : memref<77x4096x768xf32, #tpu.memory_space<hbm>> -> memref<1x32x768xf32, #tpu.memory_space<hbm>>
        %dma_wait3A_258 = tpu.memref_squeeze %dma_wait3A_257 : memref<1x32x768xf32, #tpu.memory_space<hbm>> -> memref<32x768xf32, #tpu.memory_space<hbm>>
        %dma_wait3A_259 = arith.constant 0 : i32
        %dma_wait3A_260 = tpu.memref_slice %arg5[%select_n3A_236, %add3A_255, %dma_wait3A_259] : memref<77x4096x768xf32, #tpu.memory_space<hbm>> -> memref<1x32x768xf32, #tpu.memory_space<hbm>>
        %dma_wait3A_261 = tpu.memref_squeeze %dma_wait3A_260 : memref<1x32x768xf32, #tpu.memory_space<hbm>> -> memref<32x768xf32, #tpu.memory_space<hbm>>
        tpu.wait_dma2 semaphore(%arg12 : memref<!tpu.dma_semaphore, #tpu.memory_space<semaphore_mem>>) src(%arg8 : memref<32x768xf32, #tpu.memory_space<vmem>>) dst(%dma_wait3A_261 : memref<32x768xf32, #tpu.memory_space<hbm>>)
        %add3A_262 = arith.constant 2 : i32
        %add3A_263 = arith.addi %mul3A_33, %add3A_262 : i32
        %mul3A_264 = arith.constant 32 : i32
        %mul3A_265 = arith.muli %add3A_263, %mul3A_264 : i32
        %dma_start3A_266 = tpu.memref_slice %arg6[%mul3A_265] : memref<9856xi32, #tpu.memory_space<vmem>> -> memref<32xi32, #tpu.memory_space<vmem>>
        %dma_start3A_267 = arith.constant 0 : i32
        %dma_start3A_268 = arith.constant 0 : i32
        %dma_start3A_269 = tpu.memref_slice %arg3[%dma_start3A_267, %dma_start3A_268] : memref<49408x768xf32, #tpu.memory_space<hbm>> -> memref<49408x768xf32, #tpu.memory_space<hbm>>
        tpu.enqueue_indirect_dma source(%dma_start3A_269 : memref<49408x768xf32, #tpu.memory_space<hbm>>) target(%arg8 : memref<32x768xf32, #tpu.memory_space<vmem>>) offsets(%dma_start3A_266 : memref<32xi32, #tpu.memory_space<vmem>>) semaphore(%arg10 : memref<!tpu.dma_semaphore, #tpu.memory_space<semaphore_mem>>)
      } else {
      }
      %jit3A_132 = arith.constant 4 : i32
      %div3A_133 = arith.divsi %add3A_35, %jit3A_132 : i32
      %sign3A_134 = arith.constant 0 : i32
      %sign3A_135 = arith.cmpi sgt, %add3A_35, %sign3A_134 : i32
      %sign3A_136 = arith.extui %sign3A_135 : i1 to i32
      %sign3A_137 = arith.constant 0 : i32
      %sign3A_138 = arith.cmpi slt, %add3A_35, %sign3A_137 : i32
      %sign3A_139 = arith.extui %sign3A_138 : i1 to i32
      %sign3A_140 = arith.subi %sign3A_136, %sign3A_139 : i32
      %sign3A_141 = arith.constant 0 : i32
      %sign3A_142 = arith.cmpi sgt, %jit3A_132, %sign3A_141 : i32
      %sign3A_143 = arith.extui %sign3A_142 : i1 to i32
      %sign3A_144 = arith.constant 0 : i32
      %sign3A_145 = arith.cmpi slt, %jit3A_132, %sign3A_144 : i32
      %sign3A_146 = arith.extui %sign3A_145 : i1 to i32
      %sign3A_147 = arith.subi %sign3A_143, %sign3A_146 : i32
      %ne3A_148 = arith.cmpi ne, %sign3A_140, %sign3A_147 : i32
      %rem3A_149 = arith.remsi %add3A_35, %jit3A_132 : i32
      %ne3A_150 = arith.constant 0 : i32
      %ne3A_151 = arith.cmpi ne, %rem3A_149, %ne3A_150 : i32
      %and3A_152 = arith.andi %ne3A_148, %ne3A_151 : i1
      %sub3A_153 = arith.constant 1 : i32
      %sub3A_154 = arith.subi %div3A_133, %sub3A_153 : i32
      %select_n3A_155 = arith.select %and3A_152, %sub3A_154, %div3A_133 : i32
      %mul3A_156 = arith.constant 768 : i32
      %mul3A_157 = arith.muli %select_n3A_155, %mul3A_156 : i32
      %scan3A_158 = arith.constant 0 : i32
      %scan3A_159 = arith.constant 0 : i32
      %scan3A_160 = arith.constant 32 : i32
      %scan3A_161 = arith.addi %scan3A_159, %scan3A_160 : i32
      %scan3A_162 = arith.constant 1 : i32
      scf.for %scan3A_213 = %scan3A_159 to %scan3A_161 step %scan3A_162  : i32 {
        %add3A_214 = arith.constant 0 : i32
        %add3A_215 = arith.addi %mul3A_157, %add3A_214 : i32
        %get3A = arith.index_cast %add3A_215 : i32 to index
        %get3A_216 = tpu.vector_load %arg7[%get3A] {strides = array<i32>} : memref<59136xf32, #tpu.memory_space<vmem>>, vector<16xf32>,
        %get3A_217 = vector.shape_cast %get3A_216 : vector<16xf32> to vector<16xf32>
        %swap3A = arith.index_cast %scan3A_213 : i32 to index
        %swap3A_218 = arith.constant 0 : index
        %swap3A_219 = tpu.vector_load %arg9[%swap3A, %swap3A_218] {strides = array<i32>} : memref<32x768xf32, #tpu.memory_space<vmem>>, vector<1x16xf32>,
        %swap3A_220 = vector.shape_cast %swap3A_219 : vector<1x16xf32> to vector<16xf32>
        %swap3A_221 = vector.shape_cast %get3A_217 : vector<16xf32> to vector<1x16xf32>
        tpu.vector_store %arg9[%swap3A, %swap3A_218], %swap3A_221 {add = true, strides = array<i32>} : memref<32x768xf32, #tpu.memory_space<vmem>>, vector<1x16xf32>,
        %add3A_222 = arith.constant 16 : i32
        %add3A_223 = arith.addi %mul3A_157, %add3A_222 : i32
        %get3A_224 = arith.index_cast %add3A_223 : i32 to index
        %get3A_225 = tpu.vector_load %arg7[%get3A_224] {strides = array<i32>} : memref<59136xf32, #tpu.memory_space<vmem>>, vector<16xf32>,
        %get3A_226 = vector.shape_cast %get3A_225 : vector<16xf32> to vector<16xf32>
        %swap3A_227 = arith.index_cast %scan3A_213 : i32 to index
        %swap3A_228 = arith.constant 16 : index
        %swap3A_229 = tpu.vector_load %arg9[%swap3A_227, %swap3A_228] {strides = array<i32>} : memref<32x768xf32, #tpu.memory_space<vmem>>, vector<1x16xf32>,
        %swap3A_230 = vector.shape_cast %swap3A_229 : vector<1x16xf32> to vector<16xf32>
        %swap3A_231 = vector.shape_cast %get3A_226 : vector<16xf32> to vector<1x16xf32>
        tpu.vector_store %arg9[%swap3A_227, %swap3A_228], %swap3A_231 {add = true, strides = array<i32>} : memref<32x768xf32, #tpu.memory_space<vmem>>, vector<1x16xf32>,
        %add3A_232 = arith.constant 32 : i32
        %add3A_233 = arith.addi %mul3A_157, %add3A_232 : i32
        %get3A_234 = arith.index_cast %add3A_233 : i32 to index
        %get3A_235 = tpu.vector_load %arg7[%get3A_234] {strides = array<i32>} : memref<59136xf32, #tpu.memory_space<vmem>>, vector<16xf32>,
        %get3A_236 = vector.shape_cast %get3A_235 : vector<16xf32> to vector<16xf32>
        %swap3A_237 = arith.index_cast %scan3A_213 : i32 to index
        %swap3A_238 = arith.constant 32 : index
        %swap3A_239 = tpu.vector_load %arg9[%swap3A_237, %swap3A_238] {strides = array<i32>} : memref<32x768xf32, #tpu.memory_space<vmem>>, vector<1x16xf32>,
        %swap3A_240 = vector.shape_cast %swap3A_239 : vector<1x16xf32> to vector<16xf32>
        %swap3A_241 = vector.shape_cast %get3A_236 : vector<16xf32> to vector<1x16xf32>
        tpu.vector_store %arg9[%swap3A_237, %swap3A_238], %swap3A_241 {add = true, strides = array<i32>} : memref<32x768xf32, #tpu.memory_space<vmem>>, vector<1x16xf32>,
        %add3A_242 = arith.constant 48 : i32
        %add3A_243 = arith.addi %mul3A_157, %add3A_242 : i32
        %get3A_244 = arith.index_cast %add3A_243 : i32 to index
        %get3A_245 = tpu.vector_load %arg7[%get3A_244] {strides = array<i32>} : memref<59136xf32, #tpu.memory_space<vmem>>, vector<16xf32>,
        %get3A_246 = vector.shape_cast %get3A_245 : vector<16xf32> to vector<16xf32>
        %swap3A_247 = arith.index_cast %scan3A_213 : i32 to index
        %swap3A_248 = arith.constant 48 : index
        %swap3A_249 = tpu.vector_load %arg9[%swap3A_247, %swap3A_248] {strides = array<i32>} : memref<32x768xf32, #tpu.memory_space<vmem>>, vector<1x16xf32>,
        %swap3A_250 = vector.shape_cast %swap3A_249 : vector<1x16xf32> to vector<16xf32>
        %swap3A_251 = vector.shape_cast %get3A_246 : vector<16xf32> to vector<1x16xf32>
        tpu.vector_store %arg9[%swap3A_247, %swap3A_248], %swap3A_251 {add = true, strides = array<i32>} : memref<32x768xf32, #tpu.memory_space<vmem>>, vector<1x16xf32>,
        %add3A_252 = arith.constant 64 : i32
        %add3A_253 = arith.addi %mul3A_157, %add3A_252 : i32
        %get3A_254 = arith.index_cast %add3A_253 : i32 to index
        %get3A_255 = tpu.vector_load %arg7[%get3A_254] {strides = array<i32>} : memref<59136xf32, #tpu.memory_space<vmem>>, vector<16xf32>,
        %get3A_256 = vector.shape_cast %get3A_255 : vector<16xf32> to vector<16xf32>
        %swap3A_257 = arith.index_cast %scan3A_213 : i32 to index
        %swap3A_258 = arith.constant 64 : index
        %swap3A_259 = tpu.vector_load %arg9[%swap3A_257, %swap3A_258] {strides = array<i32>} : memref<32x768xf32, #tpu.memory_space<vmem>>, vector<1x16xf32>,
        %swap3A_260 = vector.shape_cast %swap3A_259 : vector<1x16xf32> to vector<16xf32>
        %swap3A_261 = vector.shape_cast %get3A_256 : vector<16xf32> to vector<1x16xf32>
        tpu.vector_store %arg9[%swap3A_257, %swap3A_258], %swap3A_261 {add = true, strides = array<i32>} : memref<32x768xf32, #tpu.memory_space<vmem>>, vector<1x16xf32>,
        %add3A_262 = arith.constant 80 : i32
        %add3A_263 = arith.addi %mul3A_157, %add3A_262 : i32
        %get3A_264 = arith.index_cast %add3A_263 : i32 to index
        %get3A_265 = tpu.vector_load %arg7[%get3A_264] {strides = array<i32>} : memref<59136xf32, #tpu.memory_space<vmem>>, vector<16xf32>,
        %get3A_266 = vector.shape_cast %get3A_265 : vector<16xf32> to vector<16xf32>
        %swap3A_267 = arith.index_cast %scan3A_213 : i32 to index
        %swap3A_268 = arith.constant 80 : index
        %swap3A_269 = tpu.vector_load %arg9[%swap3A_267, %swap3A_268] {strides = array<i32>} : memref<32x768xf32, #tpu.memory_space<vmem>>, vector<1x16xf32>,
        %swap3A_270 = vector.shape_cast %swap3A_269 : vector<1x16xf32> to vector<16xf32>
        %swap3A_271 = vector.shape_cast %get3A_266 : vector<16xf32> to vector<1x16xf32>
        tpu.vector_store %arg9[%swap3A_267, %swap3A_268], %swap3A_271 {add = true, strides = array<i32>} : memref<32x768xf32, #tpu.memory_space<vmem>>, vector<1x16xf32>,
        %add3A_272 = arith.constant 96 : i32
        %add3A_273 = arith.addi %mul3A_157, %add3A_272 : i32
        %get3A_274 = arith.index_cast %add3A_273 : i32 to index
        %get3A_275 = tpu.vector_load %arg7[%get3A_274] {strides = array<i32>} : memref<59136xf32, #tpu.memory_space<vmem>>, vector<16xf32>,
        %get3A_276 = vector.shape_cast %get3A_275 : vector<16xf32> to vector<16xf32>
        %swap3A_277 = arith.index_cast %scan3A_213 : i32 to index
        %swap3A_278 = arith.constant 96 : index
        %swap3A_279 = tpu.vector_load %arg9[%swap3A_277, %swap3A_278] {strides = array<i32>} : memref<32x768xf32, #tpu.memory_space<vmem>>, vector<1x16xf32>,
        %swap3A_280 = vector.shape_cast %swap3A_279 : vector<1x16xf32> to vector<16xf32>
        %swap3A_281 = vector.shape_cast %get3A_276 : vector<16xf32> to vector<1x16xf32>
        tpu.vector_store %arg9[%swap3A_277, %swap3A_278], %swap3A_281 {add = true, strides = array<i32>} : memref<32x768xf32, #tpu.memory_space<vmem>>, vector<1x16xf32>,
        %add3A_282 = arith.constant 112 : i32
        %add3A_283 = arith.addi %mul3A_157, %add3A_282 : i32
        %get3A_284 = arith.index_cast %add3A_283 : i32 to index
        %get3A_285 = tpu.vector_load %arg7[%get3A_284] {strides = array<i32>} : memref<59136xf32, #tpu.memory_space<vmem>>, vector<16xf32>,
        %get3A_286 = vector.shape_cast %get3A_285 : vector<16xf32> to vector<16xf32>
        %swap3A_287 = arith.index_cast %scan3A_213 : i32 to index
        %swap3A_288 = arith.constant 112 : index
        %swap3A_289 = tpu.vector_load %arg9[%swap3A_287, %swap3A_288] {strides = array<i32>} : memref<32x768xf32, #tpu.memory_space<vmem>>, vector<1x16xf32>,
        %swap3A_290 = vector.shape_cast %swap3A_289 : vector<1x16xf32> to vector<16xf32>
        %swap3A_291 = vector.shape_cast %get3A_286 : vector<16xf32> to vector<1x16xf32>
        tpu.vector_store %arg9[%swap3A_287, %swap3A_288], %swap3A_291 {add = true, strides = array<i32>} : memref<32x768xf32, #tpu.memory_space<vmem>>, vector<1x16xf32>,
        %add3A_292 = arith.constant 128 : i32
        %add3A_293 = arith.addi %mul3A_157, %add3A_292 : i32
        %get3A_294 = arith.index_cast %add3A_293 : i32 to index
        %get3A_295 = tpu.vector_load %arg7[%get3A_294] {strides = array<i32>} : memref<59136xf32, #tpu.memory_space<vmem>>, vector<16xf32>,
        %get3A_296 = vector.shape_cast %get3A_295 : vector<16xf32> to vector<16xf32>
        %swap3A_297 = arith.index_cast %scan3A_213 : i32 to index
        %swap3A_298 = arith.constant 128 : index
        %swap3A_299 = tpu.vector_load %arg9[%swap3A_297, %swap3A_298] {strides = array<i32>} : memref<32x768xf32, #tpu.memory_space<vmem>>, vector<1x16xf32>,
        %swap3A_300 = vector.shape_cast %swap3A_299 : vector<1x16xf32> to vector<16xf32>
        %swap3A_301 = vector.shape_cast %get3A_296 : vector<16xf32> to vector<1x16xf32>
        tpu.vector_store %arg9[%swap3A_297, %swap3A_298], %swap3A_301 {add = true, strides = array<i32>} : memref<32x768xf32, #tpu.memory_space<vmem>>, vector<1x16xf32>,
        %add3A_302 = arith.constant 144 : i32
        %add3A_303 = arith.addi %mul3A_157, %add3A_302 : i32
        %get3A_304 = arith.index_cast %add3A_303 : i32 to index
        %get3A_305 = tpu.vector_load %arg7[%get3A_304] {strides = array<i32>} : memref<59136xf32, #tpu.memory_space<vmem>>, vector<16xf32>,
        %get3A_306 = vector.shape_cast %get3A_305 : vector<16xf32> to vector<16xf32>
        %swap3A_307 = arith.index_cast %scan3A_213 : i32 to index
        %swap3A_308 = arith.constant 144 : index
        %swap3A_309 = tpu.vector_load %arg9[%swap3A_307, %swap3A_308] {strides = array<i32>} : memref<32x768xf32, #tpu.memory_space<vmem>>, vector<1x16xf32>,
        %swap3A_310 = vector.shape_cast %swap3A_309 : vector<1x16xf32> to vector<16xf32>
        %swap3A_311 = vector.shape_cast %get3A_306 : vector<16xf32> to vector<1x16xf32>
        tpu.vector_store %arg9[%swap3A_307, %swap3A_308], %swap3A_311 {add = true, strides = array<i32>} : memref<32x768xf32, #tpu.memory_space<vmem>>, vector<1x16xf32>,
        %add3A_312 = arith.constant 160 : i32
        %add3A_313 = arith.addi %mul3A_157, %add3A_312 : i32
        %get3A_314 = arith.index_cast %add3A_313 : i32 to index
        %get3A_315 = tpu.vector_load %arg7[%get3A_314] {strides = array<i32>} : memref<59136xf32, #tpu.memory_space<vmem>>, vector<16xf32>,
        %get3A_316 = vector.shape_cast %get3A_315 : vector<16xf32> to vector<16xf32>
        %swap3A_317 = arith.index_cast %scan3A_213 : i32 to index
        %swap3A_318 = arith.constant 160 : index
        %swap3A_319 = tpu.vector_load %arg9[%swap3A_317, %swap3A_318] {strides = array<i32>} : memref<32x768xf32, #tpu.memory_space<vmem>>, vector<1x16xf32>,
        %swap3A_320 = vector.shape_cast %swap3A_319 : vector<1x16xf32> to vector<16xf32>
        %swap3A_321 = vector.shape_cast %get3A_316 : vector<16xf32> to vector<1x16xf32>
        tpu.vector_store %arg9[%swap3A_317, %swap3A_318], %swap3A_321 {add = true, strides = array<i32>} : memref<32x768xf32, #tpu.memory_space<vmem>>, vector<1x16xf32>,
        %add3A_322 = arith.constant 176 : i32
        %add3A_323 = arith.addi %mul3A_157, %add3A_322 : i32
        %get3A_324 = arith.index_cast %add3A_323 : i32 to index
        %get3A_325 = tpu.vector_load %arg7[%get3A_324] {strides = array<i32>} : memref<59136xf32, #tpu.memory_space<vmem>>, vector<16xf32>,
        %get3A_326 = vector.shape_cast %get3A_325 : vector<16xf32> to vector<16xf32>
        %swap3A_327 = arith.index_cast %scan3A_213 : i32 to index
        %swap3A_328 = arith.constant 176 : index
        %swap3A_329 = tpu.vector_load %arg9[%swap3A_327, %swap3A_328] {strides = array<i32>} : memref<32x768xf32, #tpu.memory_space<vmem>>, vector<1x16xf32>,
        %swap3A_330 = vector.shape_cast %swap3A_329 : vector<1x16xf32> to vector<16xf32>
        %swap3A_331 = vector.shape_cast %get3A_326 : vector<16xf32> to vector<1x16xf32>
        tpu.vector_store %arg9[%swap3A_327, %swap3A_328], %swap3A_331 {add = true, strides = array<i32>} : memref<32x768xf32, #tpu.memory_space<vmem>>, vector<1x16xf32>,
        %add3A_332 = arith.constant 192 : i32
        %add3A_333 = arith.addi %mul3A_157, %add3A_332 : i32
        %get3A_334 = arith.index_cast %add3A_333 : i32 to index
        %get3A_335 = tpu.vector_load %arg7[%get3A_334] {strides = array<i32>} : memref<59136xf32, #tpu.memory_space<vmem>>, vector<16xf32>,
        %get3A_336 = vector.shape_cast %get3A_335 : vector<16xf32> to vector<16xf32>
        %swap3A_337 = arith.index_cast %scan3A_213 : i32 to index
        %swap3A_338 = arith.constant 192 : index
        %swap3A_339 = tpu.vector_load %arg9[%swap3A_337, %swap3A_338] {strides = array<i32>} : memref<32x768xf32, #tpu.memory_space<vmem>>, vector<1x16xf32>,
        %swap3A_340 = vector.shape_cast %swap3A_339 : vector<1x16xf32> to vector<16xf32>
        %swap3A_341 = vector.shape_cast %get3A_336 : vector<16xf32> to vector<1x16xf32>
        tpu.vector_store %arg9[%swap3A_337, %swap3A_338], %swap3A_341 {add = true, strides = array<i32>} : memref<32x768xf32, #tpu.memory_space<vmem>>, vector<1x16xf32>,
        %add3A_342 = arith.constant 208 : i32
        %add3A_343 = arith.addi %mul3A_157, %add3A_342 : i32
        %get3A_344 = arith.index_cast %add3A_343 : i32 to index
        %get3A_345 = tpu.vector_load %arg7[%get3A_344] {strides = array<i32>} : memref<59136xf32, #tpu.memory_space<vmem>>, vector<16xf32>,
        %get3A_346 = vector.shape_cast %get3A_345 : vector<16xf32> to vector<16xf32>
        %swap3A_347 = arith.index_cast %scan3A_213 : i32 to index
        %swap3A_348 = arith.constant 208 : index
        %swap3A_349 = tpu.vector_load %arg9[%swap3A_347, %swap3A_348] {strides = array<i32>} : memref<32x768xf32, #tpu.memory_space<vmem>>, vector<1x16xf32>,
        %swap3A_350 = vector.shape_cast %swap3A_349 : vector<1x16xf32> to vector<16xf32>
        %swap3A_351 = vector.shape_cast %get3A_346 : vector<16xf32> to vector<1x16xf32>
        tpu.vector_store %arg9[%swap3A_347, %swap3A_348], %swap3A_351 {add = true, strides = array<i32>} : memref<32x768xf32, #tpu.memory_space<vmem>>, vector<1x16xf32>,
        %add3A_352 = arith.constant 224 : i32
        %add3A_353 = arith.addi %mul3A_157, %add3A_352 : i32
        %get3A_354 = arith.index_cast %add3A_353 : i32 to index
        %get3A_355 = tpu.vector_load %arg7[%get3A_354] {strides = array<i32>} : memref<59136xf32, #tpu.memory_space<vmem>>, vector<16xf32>,
        %get3A_356 = vector.shape_cast %get3A_355 : vector<16xf32> to vector<16xf32>
        %swap3A_357 = arith.index_cast %scan3A_213 : i32 to index
        %swap3A_358 = arith.constant 224 : index
        %swap3A_359 = tpu.vector_load %arg9[%swap3A_357, %swap3A_358] {strides = array<i32>} : memref<32x768xf32, #tpu.memory_space<vmem>>, vector<1x16xf32>,
        %swap3A_360 = vector.shape_cast %swap3A_359 : vector<1x16xf32> to vector<16xf32>
        %swap3A_361 = vector.shape_cast %get3A_356 : vector<16xf32> to vector<1x16xf32>
        tpu.vector_store %arg9[%swap3A_357, %swap3A_358], %swap3A_361 {add = true, strides = array<i32>} : memref<32x768xf32, #tpu.memory_space<vmem>>, vector<1x16xf32>,
        %add3A_362 = arith.constant 240 : i32
        %add3A_363 = arith.addi %mul3A_157, %add3A_362 : i32
        %get3A_364 = arith.index_cast %add3A_363 : i32 to index
        %get3A_365 = tpu.vector_load %arg7[%get3A_364] {strides = array<i32>} : memref<59136xf32, #tpu.memory_space<vmem>>, vector<16xf32>,
        %get3A_366 = vector.shape_cast %get3A_365 : vector<16xf32> to vector<16xf32>
        %swap3A_367 = arith.index_cast %scan3A_213 : i32 to index
        %swap3A_368 = arith.constant 240 : index
        %swap3A_369 = tpu.vector_load %arg9[%swap3A_367, %swap3A_368] {strides = array<i32>} : memref<32x768xf32, #tpu.memory_space<vmem>>, vector<1x16xf32>,
        %swap3A_370 = vector.shape_cast %swap3A_369 : vector<1x16xf32> to vector<16xf32>
        %swap3A_371 = vector.shape_cast %get3A_366 : vector<16xf32> to vector<1x16xf32>
        tpu.vector_store %arg9[%swap3A_367, %swap3A_368], %swap3A_371 {add = true, strides = array<i32>} : memref<32x768xf32, #tpu.memory_space<vmem>>, vector<1x16xf32>,
        %add3A_372 = arith.constant 256 : i32
        %add3A_373 = arith.addi %mul3A_157, %add3A_372 : i32
        %get3A_374 = arith.index_cast %add3A_373 : i32 to index
        %get3A_375 = tpu.vector_load %arg7[%get3A_374] {strides = array<i32>} : memref<59136xf32, #tpu.memory_space<vmem>>, vector<16xf32>,
        %get3A_376 = vector.shape_cast %get3A_375 : vector<16xf32> to vector<16xf32>
        %swap3A_377 = arith.index_cast %scan3A_213 : i32 to index
        %swap3A_378 = arith.constant 256 : index
        %swap3A_379 = tpu.vector_load %arg9[%swap3A_377, %swap3A_378] {strides = array<i32>} : memref<32x768xf32, #tpu.memory_space<vmem>>, vector<1x16xf32>,
        %swap3A_380 = vector.shape_cast %swap3A_379 : vector<1x16xf32> to vector<16xf32>
        %swap3A_381 = vector.shape_cast %get3A_376 : vector<16xf32> to vector<1x16xf32>
        tpu.vector_store %arg9[%swap3A_377, %swap3A_378], %swap3A_381 {add = true, strides = array<i32>} : memref<32x768xf32, #tpu.memory_space<vmem>>, vector<1x16xf32>,
        %add3A_382 = arith.constant 272 : i32
        %add3A_383 = arith.addi %mul3A_157, %add3A_382 : i32
        %get3A_384 = arith.index_cast %add3A_383 : i32 to index
        %get3A_385 = tpu.vector_load %arg7[%get3A_384] {strides = array<i32>} : memref<59136xf32, #tpu.memory_space<vmem>>, vector<16xf32>,
        %get3A_386 = vector.shape_cast %get3A_385 : vector<16xf32> to vector<16xf32>
        %swap3A_387 = arith.index_cast %scan3A_213 : i32 to index
        %swap3A_388 = arith.constant 272 : index
        %swap3A_389 = tpu.vector_load %arg9[%swap3A_387, %swap3A_388] {strides = array<i32>} : memref<32x768xf32, #tpu.memory_space<vmem>>, vector<1x16xf32>,
        %swap3A_390 = vector.shape_cast %swap3A_389 : vector<1x16xf32> to vector<16xf32>
        %swap3A_391 = vector.shape_cast %get3A_386 : vector<16xf32> to vector<1x16xf32>
        tpu.vector_store %arg9[%swap3A_387, %swap3A_388], %swap3A_391 {add = true, strides = array<i32>} : memref<32x768xf32, #tpu.memory_space<vmem>>, vector<1x16xf32>,
        %add3A_392 = arith.constant 288 : i32
        %add3A_393 = arith.addi %mul3A_157, %add3A_392 : i32
        %get3A_394 = arith.index_cast %add3A_393 : i32 to index
        %get3A_395 = tpu.vector_load %arg7[%get3A_394] {strides = array<i32>} : memref<59136xf32, #tpu.memory_space<vmem>>, vector<16xf32>,
        %get3A_396 = vector.shape_cast %get3A_395 : vector<16xf32> to vector<16xf32>
        %swap3A_397 = arith.index_cast %scan3A_213 : i32 to index
        %swap3A_398 = arith.constant 288 : index
        %swap3A_399 = tpu.vector_load %arg9[%swap3A_397, %swap3A_398] {strides = array<i32>} : memref<32x768xf32, #tpu.memory_space<vmem>>, vector<1x16xf32>,
        %swap3A_400 = vector.shape_cast %swap3A_399 : vector<1x16xf32> to vector<16xf32>
        %swap3A_401 = vector.shape_cast %get3A_396 : vector<16xf32> to vector<1x16xf32>
        tpu.vector_store %arg9[%swap3A_397, %swap3A_398], %swap3A_401 {add = true, strides = array<i32>} : memref<32x768xf32, #tpu.memory_space<vmem>>, vector<1x16xf32>,
        %add3A_402 = arith.constant 304 : i32
        %add3A_403 = arith.addi %mul3A_157, %add3A_402 : i32
        %get3A_404 = arith.index_cast %add3A_403 : i32 to index
        %get3A_405 = tpu.vector_load %arg7[%get3A_404] {strides = array<i32>} : memref<59136xf32, #tpu.memory_space<vmem>>, vector<16xf32>,
        %get3A_406 = vector.shape_cast %get3A_405 : vector<16xf32> to vector<16xf32>
        %swap3A_407 = arith.index_cast %scan3A_213 : i32 to index
        %swap3A_408 = arith.constant 304 : index
        %swap3A_409 = tpu.vector_load %arg9[%swap3A_407, %swap3A_408] {strides = array<i32>} : memref<32x768xf32, #tpu.memory_space<vmem>>, vector<1x16xf32>,
        %swap3A_410 = vector.shape_cast %swap3A_409 : vector<1x16xf32> to vector<16xf32>
        %swap3A_411 = vector.shape_cast %get3A_406 : vector<16xf32> to vector<1x16xf32>
        tpu.vector_store %arg9[%swap3A_407, %swap3A_408], %swap3A_411 {add = true, strides = array<i32>} : memref<32x768xf32, #tpu.memory_space<vmem>>, vector<1x16xf32>,
        %add3A_412 = arith.constant 320 : i32
        %add3A_413 = arith.addi %mul3A_157, %add3A_412 : i32
        %get3A_414 = arith.index_cast %add3A_413 : i32 to index
        %get3A_415 = tpu.vector_load %arg7[%get3A_414] {strides = array<i32>} : memref<59136xf32, #tpu.memory_space<vmem>>, vector<16xf32>,
        %get3A_416 = vector.shape_cast %get3A_415 : vector<16xf32> to vector<16xf32>
        %swap3A_417 = arith.index_cast %scan3A_213 : i32 to index
        %swap3A_418 = arith.constant 320 : index
        %swap3A_419 = tpu.vector_load %arg9[%swap3A_417, %swap3A_418] {strides = array<i32>} : memref<32x768xf32, #tpu.memory_space<vmem>>, vector<1x16xf32>,
        %swap3A_420 = vector.shape_cast %swap3A_419 : vector<1x16xf32> to vector<16xf32>
        %swap3A_421 = vector.shape_cast %get3A_416 : vector<16xf32> to vector<1x16xf32>
        tpu.vector_store %arg9[%swap3A_417, %swap3A_418], %swap3A_421 {add = true, strides = array<i32>} : memref<32x768xf32, #tpu.memory_space<vmem>>, vector<1x16xf32>,
        %add3A_422 = arith.constant 336 : i32
        %add3A_423 = arith.addi %mul3A_157, %add3A_422 : i32
        %get3A_424 = arith.index_cast %add3A_423 : i32 to index
        %get3A_425 = tpu.vector_load %arg7[%get3A_424] {strides = array<i32>} : memref<59136xf32, #tpu.memory_space<vmem>>, vector<16xf32>,
        %get3A_426 = vector.shape_cast %get3A_425 : vector<16xf32> to vector<16xf32>
        %swap3A_427 = arith.index_cast %scan3A_213 : i32 to index
        %swap3A_428 = arith.constant 336 : index
        %swap3A_429 = tpu.vector_load %arg9[%swap3A_427, %swap3A_428] {strides = array<i32>} : memref<32x768xf32, #tpu.memory_space<vmem>>, vector<1x16xf32>,
        %swap3A_430 = vector.shape_cast %swap3A_429 : vector<1x16xf32> to vector<16xf32>
        %swap3A_431 = vector.shape_cast %get3A_426 : vector<16xf32> to vector<1x16xf32>
        tpu.vector_store %arg9[%swap3A_427, %swap3A_428], %swap3A_431 {add = true, strides = array<i32>} : memref<32x768xf32, #tpu.memory_space<vmem>>, vector<1x16xf32>,
        %add3A_432 = arith.constant 352 : i32
        %add3A_433 = arith.addi %mul3A_157, %add3A_432 : i32
        %get3A_434 = arith.index_cast %add3A_433 : i32 to index
        %get3A_435 = tpu.vector_load %arg7[%get3A_434] {strides = array<i32>} : memref<59136xf32, #tpu.memory_space<vmem>>, vector<16xf32>,
        %get3A_436 = vector.shape_cast %get3A_435 : vector<16xf32> to vector<16xf32>
        %swap3A_437 = arith.index_cast %scan3A_213 : i32 to index
        %swap3A_438 = arith.constant 352 : index
        %swap3A_439 = tpu.vector_load %arg9[%swap3A_437, %swap3A_438] {strides = array<i32>} : memref<32x768xf32, #tpu.memory_space<vmem>>, vector<1x16xf32>,
        %swap3A_440 = vector.shape_cast %swap3A_439 : vector<1x16xf32> to vector<16xf32>
        %swap3A_441 = vector.shape_cast %get3A_436 : vector<16xf32> to vector<1x16xf32>
        tpu.vector_store %arg9[%swap3A_437, %swap3A_438], %swap3A_441 {add = true, strides = array<i32>} : memref<32x768xf32, #tpu.memory_space<vmem>>, vector<1x16xf32>,
        %add3A_442 = arith.constant 368 : i32
        %add3A_443 = arith.addi %mul3A_157, %add3A_442 : i32
        %get3A_444 = arith.index_cast %add3A_443 : i32 to index
        %get3A_445 = tpu.vector_load %arg7[%get3A_444] {strides = array<i32>} : memref<59136xf32, #tpu.memory_space<vmem>>, vector<16xf32>,
        %get3A_446 = vector.shape_cast %get3A_445 : vector<16xf32> to vector<16xf32>
        %swap3A_447 = arith.index_cast %scan3A_213 : i32 to index
        %swap3A_448 = arith.constant 368 : index
        %swap3A_449 = tpu.vector_load %arg9[%swap3A_447, %swap3A_448] {strides = array<i32>} : memref<32x768xf32, #tpu.memory_space<vmem>>, vector<1x16xf32>,
        %swap3A_450 = vector.shape_cast %swap3A_449 : vector<1x16xf32> to vector<16xf32>
        %swap3A_451 = vector.shape_cast %get3A_446 : vector<16xf32> to vector<1x16xf32>
        tpu.vector_store %arg9[%swap3A_447, %swap3A_448], %swap3A_451 {add = true, strides = array<i32>} : memref<32x768xf32, #tpu.memory_space<vmem>>, vector<1x16xf32>,
        %add3A_452 = arith.constant 384 : i32
        %add3A_453 = arith.addi %mul3A_157, %add3A_452 : i32
        %get3A_454 = arith.index_cast %add3A_453 : i32 to index
        %get3A_455 = tpu.vector_load %arg7[%get3A_454] {strides = array<i32>} : memref<59136xf32, #tpu.memory_space<vmem>>, vector<16xf32>,
        %get3A_456 = vector.shape_cast %get3A_455 : vector<16xf32> to vector<16xf32>
        %swap3A_457 = arith.index_cast %scan3A_213 : i32 to index
        %swap3A_458 = arith.constant 384 : index
        %swap3A_459 = tpu.vector_load %arg9[%swap3A_457, %swap3A_458] {strides = array<i32>} : memref<32x768xf32, #tpu.memory_space<vmem>>, vector<1x16xf32>,
        %swap3A_460 = vector.shape_cast %swap3A_459 : vector<1x16xf32> to vector<16xf32>
        %swap3A_461 = vector.shape_cast %get3A_456 : vector<16xf32> to vector<1x16xf32>
        tpu.vector_store %arg9[%swap3A_457, %swap3A_458], %swap3A_461 {add = true, strides = array<i32>} : memref<32x768xf32, #tpu.memory_space<vmem>>, vector<1x16xf32>,
        %add3A_462 = arith.constant 400 : i32
        %add3A_463 = arith.addi %mul3A_157, %add3A_462 : i32
        %get3A_464 = arith.index_cast %add3A_463 : i32 to index
        %get3A_465 = tpu.vector_load %arg7[%get3A_464] {strides = array<i32>} : memref<59136xf32, #tpu.memory_space<vmem>>, vector<16xf32>,
        %get3A_466 = vector.shape_cast %get3A_465 : vector<16xf32> to vector<16xf32>
        %swap3A_467 = arith.index_cast %scan3A_213 : i32 to index
        %swap3A_468 = arith.constant 400 : index
        %swap3A_469 = tpu.vector_load %arg9[%swap3A_467, %swap3A_468] {strides = array<i32>} : memref<32x768xf32, #tpu.memory_space<vmem>>, vector<1x16xf32>,
        %swap3A_470 = vector.shape_cast %swap3A_469 : vector<1x16xf32> to vector<16xf32>
        %swap3A_471 = vector.shape_cast %get3A_466 : vector<16xf32> to vector<1x16xf32>
        tpu.vector_store %arg9[%swap3A_467, %swap3A_468], %swap3A_471 {add = true, strides = array<i32>} : memref<32x768xf32, #tpu.memory_space<vmem>>, vector<1x16xf32>,
        %add3A_472 = arith.constant 416 : i32
        %add3A_473 = arith.addi %mul3A_157, %add3A_472 : i32
        %get3A_474 = arith.index_cast %add3A_473 : i32 to index
        %get3A_475 = tpu.vector_load %arg7[%get3A_474] {strides = array<i32>} : memref<59136xf32, #tpu.memory_space<vmem>>, vector<16xf32>,
        %get3A_476 = vector.shape_cast %get3A_475 : vector<16xf32> to vector<16xf32>
        %swap3A_477 = arith.index_cast %scan3A_213 : i32 to index
        %swap3A_478 = arith.constant 416 : index
        %swap3A_479 = tpu.vector_load %arg9[%swap3A_477, %swap3A_478] {strides = array<i32>} : memref<32x768xf32, #tpu.memory_space<vmem>>, vector<1x16xf32>,
        %swap3A_480 = vector.shape_cast %swap3A_479 : vector<1x16xf32> to vector<16xf32>
        %swap3A_481 = vector.shape_cast %get3A_476 : vector<16xf32> to vector<1x16xf32>
        tpu.vector_store %arg9[%swap3A_477, %swap3A_478], %swap3A_481 {add = true, strides = array<i32>} : memref<32x768xf32, #tpu.memory_space<vmem>>, vector<1x16xf32>,
        %add3A_482 = arith.constant 432 : i32
        %add3A_483 = arith.addi %mul3A_157, %add3A_482 : i32
        %get3A_484 = arith.index_cast %add3A_483 : i32 to index
        %get3A_485 = tpu.vector_load %arg7[%get3A_484] {strides = array<i32>} : memref<59136xf32, #tpu.memory_space<vmem>>, vector<16xf32>,
        %get3A_486 = vector.shape_cast %get3A_485 : vector<16xf32> to vector<16xf32>
        %swap3A_487 = arith.index_cast %scan3A_213 : i32 to index
        %swap3A_488 = arith.constant 432 : index
        %swap3A_489 = tpu.vector_load %arg9[%swap3A_487, %swap3A_488] {strides = array<i32>} : memref<32x768xf32, #tpu.memory_space<vmem>>, vector<1x16xf32>,
        %swap3A_490 = vector.shape_cast %swap3A_489 : vector<1x16xf32> to vector<16xf32>
        %swap3A_491 = vector.shape_cast %get3A_486 : vector<16xf32> to vector<1x16xf32>
        tpu.vector_store %arg9[%swap3A_487, %swap3A_488], %swap3A_491 {add = true, strides = array<i32>} : memref<32x768xf32, #tpu.memory_space<vmem>>, vector<1x16xf32>,
        %add3A_492 = arith.constant 448 : i32
        %add3A_493 = arith.addi %mul3A_157, %add3A_492 : i32
        %get3A_494 = arith.index_cast %add3A_493 : i32 to index
        %get3A_495 = tpu.vector_load %arg7[%get3A_494] {strides = array<i32>} : memref<59136xf32, #tpu.memory_space<vmem>>, vector<16xf32>,
        %get3A_496 = vector.shape_cast %get3A_495 : vector<16xf32> to vector<16xf32>
        %swap3A_497 = arith.index_cast %scan3A_213 : i32 to index
        %swap3A_498 = arith.constant 448 : index
        %swap3A_499 = tpu.vector_load %arg9[%swap3A_497, %swap3A_498] {strides = array<i32>} : memref<32x768xf32, #tpu.memory_space<vmem>>, vector<1x16xf32>,
        %swap3A_500 = vector.shape_cast %swap3A_499 : vector<1x16xf32> to vector<16xf32>
        %swap3A_501 = vector.shape_cast %get3A_496 : vector<16xf32> to vector<1x16xf32>
        tpu.vector_store %arg9[%swap3A_497, %swap3A_498], %swap3A_501 {add = true, strides = array<i32>} : memref<32x768xf32, #tpu.memory_space<vmem>>, vector<1x16xf32>,
        %add3A_502 = arith.constant 464 : i32
        %add3A_503 = arith.addi %mul3A_157, %add3A_502 : i32
        %get3A_504 = arith.index_cast %add3A_503 : i32 to index
        %get3A_505 = tpu.vector_load %arg7[%get3A_504] {strides = array<i32>} : memref<59136xf32, #tpu.memory_space<vmem>>, vector<16xf32>,
        %get3A_506 = vector.shape_cast %get3A_505 : vector<16xf32> to vector<16xf32>
        %swap3A_507 = arith.index_cast %scan3A_213 : i32 to index
        %swap3A_508 = arith.constant 464 : index
        %swap3A_509 = tpu.vector_load %arg9[%swap3A_507, %swap3A_508] {strides = array<i32>} : memref<32x768xf32, #tpu.memory_space<vmem>>, vector<1x16xf32>,
        %swap3A_510 = vector.shape_cast %swap3A_509 : vector<1x16xf32> to vector<16xf32>
        %swap3A_511 = vector.shape_cast %get3A_506 : vector<16xf32> to vector<1x16xf32>
        tpu.vector_store %arg9[%swap3A_507, %swap3A_508], %swap3A_511 {add = true, strides = array<i32>} : memref<32x768xf32, #tpu.memory_space<vmem>>, vector<1x16xf32>,
        %add3A_512 = arith.constant 480 : i32
        %add3A_513 = arith.addi %mul3A_157, %add3A_512 : i32
        %get3A_514 = arith.index_cast %add3A_513 : i32 to index
        %get3A_515 = tpu.vector_load %arg7[%get3A_514] {strides = array<i32>} : memref<59136xf32, #tpu.memory_space<vmem>>, vector<16xf32>,
        %get3A_516 = vector.shape_cast %get3A_515 : vector<16xf32> to vector<16xf32>
        %swap3A_517 = arith.index_cast %scan3A_213 : i32 to index
        %swap3A_518 = arith.constant 480 : index
        %swap3A_519 = tpu.vector_load %arg9[%swap3A_517, %swap3A_518] {strides = array<i32>} : memref<32x768xf32, #tpu.memory_space<vmem>>, vector<1x16xf32>,
        %swap3A_520 = vector.shape_cast %swap3A_519 : vector<1x16xf32> to vector<16xf32>
        %swap3A_521 = vector.shape_cast %get3A_516 : vector<16xf32> to vector<1x16xf32>
        tpu.vector_store %arg9[%swap3A_517, %swap3A_518], %swap3A_521 {add = true, strides = array<i32>} : memref<32x768xf32, #tpu.memory_space<vmem>>, vector<1x16xf32>,
        %add3A_522 = arith.constant 496 : i32
        %add3A_523 = arith.addi %mul3A_157, %add3A_522 : i32
        %get3A_524 = arith.index_cast %add3A_523 : i32 to index
        %get3A_525 = tpu.vector_load %arg7[%get3A_524] {strides = array<i32>} : memref<59136xf32, #tpu.memory_space<vmem>>, vector<16xf32>,
        %get3A_526 = vector.shape_cast %get3A_525 : vector<16xf32> to vector<16xf32>
        %swap3A_527 = arith.index_cast %scan3A_213 : i32 to index
        %swap3A_528 = arith.constant 496 : index
        %swap3A_529 = tpu.vector_load %arg9[%swap3A_527, %swap3A_528] {strides = array<i32>} : memref<32x768xf32, #tpu.memory_space<vmem>>, vector<1x16xf32>,
        %swap3A_530 = vector.shape_cast %swap3A_529 : vector<1x16xf32> to vector<16xf32>
        %swap3A_531 = vector.shape_cast %get3A_526 : vector<16xf32> to vector<1x16xf32>
        tpu.vector_store %arg9[%swap3A_527, %swap3A_528], %swap3A_531 {add = true, strides = array<i32>} : memref<32x768xf32, #tpu.memory_space<vmem>>, vector<1x16xf32>,
        %add3A_532 = arith.constant 512 : i32
        %add3A_533 = arith.addi %mul3A_157, %add3A_532 : i32
        %get3A_534 = arith.index_cast %add3A_533 : i32 to index
        %get3A_535 = tpu.vector_load %arg7[%get3A_534] {strides = array<i32>} : memref<59136xf32, #tpu.memory_space<vmem>>, vector<16xf32>,
        %get3A_536 = vector.shape_cast %get3A_535 : vector<16xf32> to vector<16xf32>
        %swap3A_537 = arith.index_cast %scan3A_213 : i32 to index
        %swap3A_538 = arith.constant 512 : index
        %swap3A_539 = tpu.vector_load %arg9[%swap3A_537, %swap3A_538] {strides = array<i32>} : memref<32x768xf32, #tpu.memory_space<vmem>>, vector<1x16xf32>,
        %swap3A_540 = vector.shape_cast %swap3A_539 : vector<1x16xf32> to vector<16xf32>
        %swap3A_541 = vector.shape_cast %get3A_536 : vector<16xf32> to vector<1x16xf32>
        tpu.vector_store %arg9[%swap3A_537, %swap3A_538], %swap3A_541 {add = true, strides = array<i32>} : memref<32x768xf32, #tpu.memory_space<vmem>>, vector<1x16xf32>,
        %add3A_542 = arith.constant 528 : i32
        %add3A_543 = arith.addi %mul3A_157, %add3A_542 : i32
        %get3A_544 = arith.index_cast %add3A_543 : i32 to index
        %get3A_545 = tpu.vector_load %arg7[%get3A_544] {strides = array<i32>} : memref<59136xf32, #tpu.memory_space<vmem>>, vector<16xf32>,
        %get3A_546 = vector.shape_cast %get3A_545 : vector<16xf32> to vector<16xf32>
        %swap3A_547 = arith.index_cast %scan3A_213 : i32 to index
        %swap3A_548 = arith.constant 528 : index
        %swap3A_549 = tpu.vector_load %arg9[%swap3A_547, %swap3A_548] {strides = array<i32>} : memref<32x768xf32, #tpu.memory_space<vmem>>, vector<1x16xf32>,
        %swap3A_550 = vector.shape_cast %swap3A_549 : vector<1x16xf32> to vector<16xf32>
        %swap3A_551 = vector.shape_cast %get3A_546 : vector<16xf32> to vector<1x16xf32>
        tpu.vector_store %arg9[%swap3A_547, %swap3A_548], %swap3A_551 {add = true, strides = array<i32>} : memref<32x768xf32, #tpu.memory_space<vmem>>, vector<1x16xf32>,
        %add3A_552 = arith.constant 544 : i32
        %add3A_553 = arith.addi %mul3A_157, %add3A_552 : i32
        %get3A_554 = arith.index_cast %add3A_553 : i32 to index
        %get3A_555 = tpu.vector_load %arg7[%get3A_554] {strides = array<i32>} : memref<59136xf32, #tpu.memory_space<vmem>>, vector<16xf32>,
        %get3A_556 = vector.shape_cast %get3A_555 : vector<16xf32> to vector<16xf32>
        %swap3A_557 = arith.index_cast %scan3A_213 : i32 to index
        %swap3A_558 = arith.constant 544 : index
        %swap3A_559 = tpu.vector_load %arg9[%swap3A_557, %swap3A_558] {strides = array<i32>} : memref<32x768xf32, #tpu.memory_space<vmem>>, vector<1x16xf32>,
        %swap3A_560 = vector.shape_cast %swap3A_559 : vector<1x16xf32> to vector<16xf32>
        %swap3A_561 = vector.shape_cast %get3A_556 : vector<16xf32> to vector<1x16xf32>
        tpu.vector_store %arg9[%swap3A_557, %swap3A_558], %swap3A_561 {add = true, strides = array<i32>} : memref<32x768xf32, #tpu.memory_space<vmem>>, vector<1x16xf32>,
        %add3A_562 = arith.constant 560 : i32
        %add3A_563 = arith.addi %mul3A_157, %add3A_562 : i32
        %get3A_564 = arith.index_cast %add3A_563 : i32 to index
        %get3A_565 = tpu.vector_load %arg7[%get3A_564] {strides = array<i32>} : memref<59136xf32, #tpu.memory_space<vmem>>, vector<16xf32>,
        %get3A_566 = vector.shape_cast %get3A_565 : vector<16xf32> to vector<16xf32>
        %swap3A_567 = arith.index_cast %scan3A_213 : i32 to index
        %swap3A_568 = arith.constant 560 : index
        %swap3A_569 = tpu.vector_load %arg9[%swap3A_567, %swap3A_568] {strides = array<i32>} : memref<32x768xf32, #tpu.memory_space<vmem>>, vector<1x16xf32>,
        %swap3A_570 = vector.shape_cast %swap3A_569 : vector<1x16xf32> to vector<16xf32>
        %swap3A_571 = vector.shape_cast %get3A_566 : vector<16xf32> to vector<1x16xf32>
        tpu.vector_store %arg9[%swap3A_567, %swap3A_568], %swap3A_571 {add = true, strides = array<i32>} : memref<32x768xf32, #tpu.memory_space<vmem>>, vector<1x16xf32>,
        %add3A_572 = arith.constant 576 : i32
        %add3A_573 = arith.addi %mul3A_157, %add3A_572 : i32
        %get3A_574 = arith.index_cast %add3A_573 : i32 to index
        %get3A_575 = tpu.vector_load %arg7[%get3A_574] {strides = array<i32>} : memref<59136xf32, #tpu.memory_space<vmem>>, vector<16xf32>,
        %get3A_576 = vector.shape_cast %get3A_575 : vector<16xf32> to vector<16xf32>
        %swap3A_577 = arith.index_cast %scan3A_213 : i32 to index
        %swap3A_578 = arith.constant 576 : index
        %swap3A_579 = tpu.vector_load %arg9[%swap3A_577, %swap3A_578] {strides = array<i32>} : memref<32x768xf32, #tpu.memory_space<vmem>>, vector<1x16xf32>,
        %swap3A_580 = vector.shape_cast %swap3A_579 : vector<1x16xf32> to vector<16xf32>
        %swap3A_581 = vector.shape_cast %get3A_576 : vector<16xf32> to vector<1x16xf32>
        tpu.vector_store %arg9[%swap3A_577, %swap3A_578], %swap3A_581 {add = true, strides = array<i32>} : memref<32x768xf32, #tpu.memory_space<vmem>>, vector<1x16xf32>,
        %add3A_582 = arith.constant 592 : i32
        %add3A_583 = arith.addi %mul3A_157, %add3A_582 : i32
        %get3A_584 = arith.index_cast %add3A_583 : i32 to index
        %get3A_585 = tpu.vector_load %arg7[%get3A_584] {strides = array<i32>} : memref<59136xf32, #tpu.memory_space<vmem>>, vector<16xf32>,
        %get3A_586 = vector.shape_cast %get3A_585 : vector<16xf32> to vector<16xf32>
        %swap3A_587 = arith.index_cast %scan3A_213 : i32 to index
        %swap3A_588 = arith.constant 592 : index
        %swap3A_589 = tpu.vector_load %arg9[%swap3A_587, %swap3A_588] {strides = array<i32>} : memref<32x768xf32, #tpu.memory_space<vmem>>, vector<1x16xf32>,
        %swap3A_590 = vector.shape_cast %swap3A_589 : vector<1x16xf32> to vector<16xf32>
        %swap3A_591 = vector.shape_cast %get3A_586 : vector<16xf32> to vector<1x16xf32>
        tpu.vector_store %arg9[%swap3A_587, %swap3A_588], %swap3A_591 {add = true, strides = array<i32>} : memref<32x768xf32, #tpu.memory_space<vmem>>, vector<1x16xf32>,
        %add3A_592 = arith.constant 608 : i32
        %add3A_593 = arith.addi %mul3A_157, %add3A_592 : i32
        %get3A_594 = arith.index_cast %add3A_593 : i32 to index
        %get3A_595 = tpu.vector_load %arg7[%get3A_594] {strides = array<i32>} : memref<59136xf32, #tpu.memory_space<vmem>>, vector<16xf32>,
        %get3A_596 = vector.shape_cast %get3A_595 : vector<16xf32> to vector<16xf32>
        %swap3A_597 = arith.index_cast %scan3A_213 : i32 to index
        %swap3A_598 = arith.constant 608 : index
        %swap3A_599 = tpu.vector_load %arg9[%swap3A_597, %swap3A_598] {strides = array<i32>} : memref<32x768xf32, #tpu.memory_space<vmem>>, vector<1x16xf32>,
        %swap3A_600 = vector.shape_cast %swap3A_599 : vector<1x16xf32> to vector<16xf32>
        %swap3A_601 = vector.shape_cast %get3A_596 : vector<16xf32> to vector<1x16xf32>
        tpu.vector_store %arg9[%swap3A_597, %swap3A_598], %swap3A_601 {add = true, strides = array<i32>} : memref<32x768xf32, #tpu.memory_space<vmem>>, vector<1x16xf32>,
        %add3A_602 = arith.constant 624 : i32
        %add3A_603 = arith.addi %mul3A_157, %add3A_602 : i32
        %get3A_604 = arith.index_cast %add3A_603 : i32 to index
        %get3A_605 = tpu.vector_load %arg7[%get3A_604] {strides = array<i32>} : memref<59136xf32, #tpu.memory_space<vmem>>, vector<16xf32>,
        %get3A_606 = vector.shape_cast %get3A_605 : vector<16xf32> to vector<16xf32>
        %swap3A_607 = arith.index_cast %scan3A_213 : i32 to index
        %swap3A_608 = arith.constant 624 : index
        %swap3A_609 = tpu.vector_load %arg9[%swap3A_607, %swap3A_608] {strides = array<i32>} : memref<32x768xf32, #tpu.memory_space<vmem>>, vector<1x16xf32>,
        %swap3A_610 = vector.shape_cast %swap3A_609 : vector<1x16xf32> to vector<16xf32>
        %swap3A_611 = vector.shape_cast %get3A_606 : vector<16xf32> to vector<1x16xf32>
        tpu.vector_store %arg9[%swap3A_607, %swap3A_608], %swap3A_611 {add = true, strides = array<i32>} : memref<32x768xf32, #tpu.memory_space<vmem>>, vector<1x16xf32>,
        %add3A_612 = arith.constant 640 : i32
        %add3A_613 = arith.addi %mul3A_157, %add3A_612 : i32
        %get3A_614 = arith.index_cast %add3A_613 : i32 to index
        %get3A_615 = tpu.vector_load %arg7[%get3A_614] {strides = array<i32>} : memref<59136xf32, #tpu.memory_space<vmem>>, vector<16xf32>,
        %get3A_616 = vector.shape_cast %get3A_615 : vector<16xf32> to vector<16xf32>
        %swap3A_617 = arith.index_cast %scan3A_213 : i32 to index
        %swap3A_618 = arith.constant 640 : index
        %swap3A_619 = tpu.vector_load %arg9[%swap3A_617, %swap3A_618] {strides = array<i32>} : memref<32x768xf32, #tpu.memory_space<vmem>>, vector<1x16xf32>,
        %swap3A_620 = vector.shape_cast %swap3A_619 : vector<1x16xf32> to vector<16xf32>
        %swap3A_621 = vector.shape_cast %get3A_616 : vector<16xf32> to vector<1x16xf32>
        tpu.vector_store %arg9[%swap3A_617, %swap3A_618], %swap3A_621 {add = true, strides = array<i32>} : memref<32x768xf32, #tpu.memory_space<vmem>>, vector<1x16xf32>,
        %add3A_622 = arith.constant 656 : i32
        %add3A_623 = arith.addi %mul3A_157, %add3A_622 : i32
        %get3A_624 = arith.index_cast %add3A_623 : i32 to index
        %get3A_625 = tpu.vector_load %arg7[%get3A_624] {strides = array<i32>} : memref<59136xf32, #tpu.memory_space<vmem>>, vector<16xf32>,
        %get3A_626 = vector.shape_cast %get3A_625 : vector<16xf32> to vector<16xf32>
        %swap3A_627 = arith.index_cast %scan3A_213 : i32 to index
        %swap3A_628 = arith.constant 656 : index
        %swap3A_629 = tpu.vector_load %arg9[%swap3A_627, %swap3A_628] {strides = array<i32>} : memref<32x768xf32, #tpu.memory_space<vmem>>, vector<1x16xf32>,
        %swap3A_630 = vector.shape_cast %swap3A_629 : vector<1x16xf32> to vector<16xf32>
        %swap3A_631 = vector.shape_cast %get3A_626 : vector<16xf32> to vector<1x16xf32>
        tpu.vector_store %arg9[%swap3A_627, %swap3A_628], %swap3A_631 {add = true, strides = array<i32>} : memref<32x768xf32, #tpu.memory_space<vmem>>, vector<1x16xf32>,
        %add3A_632 = arith.constant 672 : i32
        %add3A_633 = arith.addi %mul3A_157, %add3A_632 : i32
        %get3A_634 = arith.index_cast %add3A_633 : i32 to index
        %get3A_635 = tpu.vector_load %arg7[%get3A_634] {strides = array<i32>} : memref<59136xf32, #tpu.memory_space<vmem>>, vector<16xf32>,
        %get3A_636 = vector.shape_cast %get3A_635 : vector<16xf32> to vector<16xf32>
        %swap3A_637 = arith.index_cast %scan3A_213 : i32 to index
        %swap3A_638 = arith.constant 672 : index
        %swap3A_639 = tpu.vector_load %arg9[%swap3A_637, %swap3A_638] {strides = array<i32>} : memref<32x768xf32, #tpu.memory_space<vmem>>, vector<1x16xf32>,
        %swap3A_640 = vector.shape_cast %swap3A_639 : vector<1x16xf32> to vector<16xf32>
        %swap3A_641 = vector.shape_cast %get3A_636 : vector<16xf32> to vector<1x16xf32>
        tpu.vector_store %arg9[%swap3A_637, %swap3A_638], %swap3A_641 {add = true, strides = array<i32>} : memref<32x768xf32, #tpu.memory_space<vmem>>, vector<1x16xf32>,
        %add3A_642 = arith.constant 688 : i32
        %add3A_643 = arith.addi %mul3A_157, %add3A_642 : i32
        %get3A_644 = arith.index_cast %add3A_643 : i32 to index
        %get3A_645 = tpu.vector_load %arg7[%get3A_644] {strides = array<i32>} : memref<59136xf32, #tpu.memory_space<vmem>>, vector<16xf32>,
        %get3A_646 = vector.shape_cast %get3A_645 : vector<16xf32> to vector<16xf32>
        %swap3A_647 = arith.index_cast %scan3A_213 : i32 to index
        %swap3A_648 = arith.constant 688 : index
        %swap3A_649 = tpu.vector_load %arg9[%swap3A_647, %swap3A_648] {strides = array<i32>} : memref<32x768xf32, #tpu.memory_space<vmem>>, vector<1x16xf32>,
        %swap3A_650 = vector.shape_cast %swap3A_649 : vector<1x16xf32> to vector<16xf32>
        %swap3A_651 = vector.shape_cast %get3A_646 : vector<16xf32> to vector<1x16xf32>
        tpu.vector_store %arg9[%swap3A_647, %swap3A_648], %swap3A_651 {add = true, strides = array<i32>} : memref<32x768xf32, #tpu.memory_space<vmem>>, vector<1x16xf32>,
        %add3A_652 = arith.constant 704 : i32
        %add3A_653 = arith.addi %mul3A_157, %add3A_652 : i32
        %get3A_654 = arith.index_cast %add3A_653 : i32 to index
        %get3A_655 = tpu.vector_load %arg7[%get3A_654] {strides = array<i32>} : memref<59136xf32, #tpu.memory_space<vmem>>, vector<16xf32>,
        %get3A_656 = vector.shape_cast %get3A_655 : vector<16xf32> to vector<16xf32>
        %swap3A_657 = arith.index_cast %scan3A_213 : i32 to index
        %swap3A_658 = arith.constant 704 : index
        %swap3A_659 = tpu.vector_load %arg9[%swap3A_657, %swap3A_658] {strides = array<i32>} : memref<32x768xf32, #tpu.memory_space<vmem>>, vector<1x16xf32>,
        %swap3A_660 = vector.shape_cast %swap3A_659 : vector<1x16xf32> to vector<16xf32>
        %swap3A_661 = vector.shape_cast %get3A_656 : vector<16xf32> to vector<1x16xf32>
        tpu.vector_store %arg9[%swap3A_657, %swap3A_658], %swap3A_661 {add = true, strides = array<i32>} : memref<32x768xf32, #tpu.memory_space<vmem>>, vector<1x16xf32>,
        %add3A_662 = arith.constant 720 : i32
        %add3A_663 = arith.addi %mul3A_157, %add3A_662 : i32
        %get3A_664 = arith.index_cast %add3A_663 : i32 to index
        %get3A_665 = tpu.vector_load %arg7[%get3A_664] {strides = array<i32>} : memref<59136xf32, #tpu.memory_space<vmem>>, vector<16xf32>,
        %get3A_666 = vector.shape_cast %get3A_665 : vector<16xf32> to vector<16xf32>
        %swap3A_667 = arith.index_cast %scan3A_213 : i32 to index
        %swap3A_668 = arith.constant 720 : index
        %swap3A_669 = tpu.vector_load %arg9[%swap3A_667, %swap3A_668] {strides = array<i32>} : memref<32x768xf32, #tpu.memory_space<vmem>>, vector<1x16xf32>,
        %swap3A_670 = vector.shape_cast %swap3A_669 : vector<1x16xf32> to vector<16xf32>
        %swap3A_671 = vector.shape_cast %get3A_666 : vector<16xf32> to vector<1x16xf32>
        tpu.vector_store %arg9[%swap3A_667, %swap3A_668], %swap3A_671 {add = true, strides = array<i32>} : memref<32x768xf32, #tpu.memory_space<vmem>>, vector<1x16xf32>,
        %add3A_672 = arith.constant 736 : i32
        %add3A_673 = arith.addi %mul3A_157, %add3A_672 : i32
        %get3A_674 = arith.index_cast %add3A_673 : i32 to index
        %get3A_675 = tpu.vector_load %arg7[%get3A_674] {strides = array<i32>} : memref<59136xf32, #tpu.memory_space<vmem>>, vector<16xf32>,
        %get3A_676 = vector.shape_cast %get3A_675 : vector<16xf32> to vector<16xf32>
        %swap3A_677 = arith.index_cast %scan3A_213 : i32 to index
        %swap3A_678 = arith.constant 736 : index
        %swap3A_679 = tpu.vector_load %arg9[%swap3A_677, %swap3A_678] {strides = array<i32>} : memref<32x768xf32, #tpu.memory_space<vmem>>, vector<1x16xf32>,
        %swap3A_680 = vector.shape_cast %swap3A_679 : vector<1x16xf32> to vector<16xf32>
        %swap3A_681 = vector.shape_cast %get3A_676 : vector<16xf32> to vector<1x16xf32>
        tpu.vector_store %arg9[%swap3A_677, %swap3A_678], %swap3A_681 {add = true, strides = array<i32>} : memref<32x768xf32, #tpu.memory_space<vmem>>, vector<1x16xf32>,
        %add3A_682 = arith.constant 752 : i32
        %add3A_683 = arith.addi %mul3A_157, %add3A_682 : i32
        %get3A_684 = arith.index_cast %add3A_683 : i32 to index
        %get3A_685 = tpu.vector_load %arg7[%get3A_684] {strides = array<i32>} : memref<59136xf32, #tpu.memory_space<vmem>>, vector<16xf32>,
        %get3A_686 = vector.shape_cast %get3A_685 : vector<16xf32> to vector<16xf32>
        %swap3A_687 = arith.index_cast %scan3A_213 : i32 to index
        %swap3A_688 = arith.constant 752 : index
        %swap3A_689 = tpu.vector_load %arg9[%swap3A_687, %swap3A_688] {strides = array<i32>} : memref<32x768xf32, #tpu.memory_space<vmem>>, vector<1x16xf32>,
        %swap3A_690 = vector.shape_cast %swap3A_689 : vector<1x16xf32> to vector<16xf32>
        %swap3A_691 = vector.shape_cast %get3A_686 : vector<16xf32> to vector<1x16xf32>
        tpu.vector_store %arg9[%swap3A_687, %swap3A_688], %swap3A_691 {add = true, strides = array<i32>} : memref<32x768xf32, #tpu.memory_space<vmem>>, vector<1x16xf32>,
      }
      %scan3A_163 = arith.constant 32 : i32
      %jit3A_164 = arith.constant 4 : i32
      %div3A_165 = arith.divsi %add3A_35, %jit3A_164 : i32
      %sign3A_166 = arith.constant 0 : i32
      %sign3A_167 = arith.cmpi sgt, %add3A_35, %sign3A_166 : i32
      %sign3A_168 = arith.extui %sign3A_167 : i1 to i32
      %sign3A_169 = arith.constant 0 : i32
      %sign3A_170 = arith.cmpi slt, %add3A_35, %sign3A_169 : i32
      %sign3A_171 = arith.extui %sign3A_170 : i1 to i32
      %sign3A_172 = arith.subi %sign3A_168, %sign3A_171 : i32
      %sign3A_173 = arith.constant 0 : i32
      %sign3A_174 = arith.cmpi sgt, %jit3A_164, %sign3A_173 : i32
      %sign3A_175 = arith.extui %sign3A_174 : i1 to i32
      %sign3A_176 = arith.constant 0 : i32
      %sign3A_177 = arith.cmpi slt, %jit3A_164, %sign3A_176 : i32
      %sign3A_178 = arith.extui %sign3A_177 : i1 to i32
      %sign3A_179 = arith.subi %sign3A_175, %sign3A_178 : i32
      %ne3A_180 = arith.cmpi ne, %sign3A_172, %sign3A_179 : i32
      %rem3A_181 = arith.remsi %add3A_35, %jit3A_164 : i32
      %ne3A_182 = arith.constant 0 : i32
      %ne3A_183 = arith.cmpi ne, %rem3A_181, %ne3A_182 : i32
      %and3A_184 = arith.andi %ne3A_180, %ne3A_183 : i1
      %sub3A_185 = arith.constant 1 : i32
      %sub3A_186 = arith.subi %div3A_165, %sub3A_185 : i32
      %select_n3A_187 = arith.select %and3A_184, %sub3A_186, %div3A_165 : i32
      %jit3A_188 = arith.constant 4 : i32
      %eq3A_189 = arith.constant 0 : i32
      %eq3A_190 = arith.cmpi eq, %jit3A_188, %eq3A_189 : i32
      %jit3A_191 = arith.constant 1 : i32
      %select_n3A_192 = arith.select %eq3A_190, %jit3A_191, %jit3A_188 : i32
      %rem3A_193 = arith.remsi %add3A_35, %select_n3A_192 : i32
      %ne3A_194 = arith.constant 0 : i32
      %ne3A_195 = arith.cmpi ne, %rem3A_193, %ne3A_194 : i32
      %lt3A_196 = arith.constant 0 : i32
      %lt3A_197 = arith.cmpi slt, %rem3A_193, %lt3A_196 : i32
      %lt3A_198 = arith.constant 0 : i32
      %lt3A_199 = arith.cmpi slt, %select_n3A_192, %lt3A_198 : i32
      %ne3A_200 = arith.xori %lt3A_197, %lt3A_199 : i1
      %and3A_201 = arith.andi %ne3A_200, %ne3A_195 : i1
      %add3A_202 = arith.addi %rem3A_193, %select_n3A_192 : i32
      %select_n3A_203 = arith.select %and3A_201, %add3A_202, %rem3A_193 : i32
      %mul3A_204 = arith.constant 32 : i32
      %mul3A_205 = arith.muli %select_n3A_203, %mul3A_204 : i32
      %add3A_206 = arith.addi %mul3A_4, %mul3A_205 : i32
      %dma_start3A_207 = arith.constant 0 : i32
      %dma_start3A_208 = tpu.memref_slice %arg5[%select_n3A_187, %add3A_206, %dma_start3A_207] : memref<77x4096x768xf32, #tpu.memory_space<hbm>> -> memref<1x32x768xf32, #tpu.memory_space<hbm>>
      %dma_start3A_209 = tpu.memref_squeeze %dma_start3A_208 : memref<1x32x768xf32, #tpu.memory_space<hbm>> -> memref<32x768xf32, #tpu.memory_space<hbm>>
      %dma_start3A_210 = arith.constant 0 : i32
      %dma_start3A_211 = tpu.memref_slice %arg5[%select_n3A_187, %add3A_206, %dma_start3A_210] : memref<77x4096x768xf32, #tpu.memory_space<hbm>> -> memref<1x32x768xf32, #tpu.memory_space<hbm>>
      %dma_start3A_212 = tpu.memref_squeeze %dma_start3A_211 : memref<1x32x768xf32, #tpu.memory_space<hbm>> -> memref<32x768xf32, #tpu.memory_space<hbm>>
      tpu.enqueue_dma source(%arg9 : memref<32x768xf32, #tpu.memory_space<vmem>>) target(%dma_start3A_212 : memref<32x768xf32, #tpu.memory_space<hbm>>) target_semaphore(%arg13 : memref<!tpu.dma_semaphore, #tpu.memory_space<semaphore_mem>>)
    }
    %scan3A_13 = arith.constant 154 : i32
    %add3A_14 = arith.constant 64 : i32
    %add3A_15 = arith.addi %mul3A_4, %add3A_14 : i32
    %dma_wait3A = arith.constant 76 : i32
    %dma_wait3A_16 = arith.constant 0 : i32
    %dma_wait3A_17 = tpu.memref_slice %arg5[%dma_wait3A, %add3A_15, %dma_wait3A_16] : memref<77x4096x768xf32, #tpu.memory_space<hbm>> -> memref<1x32x768xf32, #tpu.memory_space<hbm>>
    %dma_wait3A_18 = tpu.memref_squeeze %dma_wait3A_17 : memref<1x32x768xf32, #tpu.memory_space<hbm>> -> memref<32x768xf32, #tpu.memory_space<hbm>>
    %dma_wait3A_19 = arith.constant 0 : i32
    %dma_wait3A_20 = tpu.memref_slice %arg5[%dma_wait3A, %add3A_15, %dma_wait3A_19] : memref<77x4096x768xf32, #tpu.memory_space<hbm>> -> memref<1x32x768xf32, #tpu.memory_space<hbm>>
    %dma_wait3A_21 = tpu.memref_squeeze %dma_wait3A_20 : memref<1x32x768xf32, #tpu.memory_space<hbm>> -> memref<32x768xf32, #tpu.memory_space<hbm>>
    tpu.wait_dma2 semaphore(%arg12 : memref<!tpu.dma_semaphore, #tpu.memory_space<semaphore_mem>>) src(%arg8 : memref<32x768xf32, #tpu.memory_space<vmem>>) dst(%dma_wait3A_21 : memref<32x768xf32, #tpu.memory_space<hbm>>)
    %add3A_22 = arith.constant 96 : i32
    %add3A_23 = arith.addi %mul3A_4, %add3A_22 : i32
    %dma_wait3A_24 = arith.constant 76 : i32
    %dma_wait3A_25 = arith.constant 0 : i32
    %dma_wait3A_26 = tpu.memref_slice %arg5[%dma_wait3A_24, %add3A_23, %dma_wait3A_25] : memref<77x4096x768xf32, #tpu.memory_space<hbm>> -> memref<1x32x768xf32, #tpu.memory_space<hbm>>
    %dma_wait3A_27 = tpu.memref_squeeze %dma_wait3A_26 : memref<1x32x768xf32, #tpu.memory_space<hbm>> -> memref<32x768xf32, #tpu.memory_space<hbm>>
    %dma_wait3A_28 = arith.constant 0 : i32
    %dma_wait3A_29 = tpu.memref_slice %arg5[%dma_wait3A_24, %add3A_23, %dma_wait3A_28] : memref<77x4096x768xf32, #tpu.memory_space<hbm>> -> memref<1x32x768xf32, #tpu.memory_space<hbm>>
    %dma_wait3A_30 = tpu.memref_squeeze %dma_wait3A_29 : memref<1x32x768xf32, #tpu.memory_space<hbm>> -> memref<32x768xf32, #tpu.memory_space<hbm>>
    tpu.wait_dma2 semaphore(%arg13 : memref<!tpu.dma_semaphore, #tpu.memory_space<semaphore_mem>>) src(%arg9 : memref<32x768xf32, #tpu.memory_space<vmem>>) dst(%dma_wait3A_30 : memref<32x768xf32, #tpu.memory_space<hbm>>)
    return
  }
}

module attributes {stable_mosaic.version = 14 : i64} {
  func.func @_mask_body(%arg0: i32, %arg1: memref<32x1x77x77xf32, #tpu.memory_space<vmem>>) attributes {dimension_semantics = [#tpu.dimension_semantics<arbitrary>], iteration_bounds = array<i64: 128>, scalar_prefetch = 0 : i64, scratch_operands = 0 : i64, tpu.core_type = #tpu.core_type<tc>, window_params = [{transform_indices = @transform_0, window_bounds = array<i64: 32, 1, 77, 77>}]} {
    %iota3A = tpu.iota {dimensions = array<i32: 0>} : vector<77x77xi32>
    %iota3A_0 = tpu.iota {dimensions = array<i32: 1>} : vector<77x77xi32>
    %le3A = arith.cmpi sle, %iota3A_0, %iota3A : vector<77x77xi32>
    %jit3A = arith.constant 0.000000e+00 : f32
    %jit3A_1 = arith.constant -3.40282347E+38 : f32
    %broadcast_in_dim3A = vector.broadcast %jit3A : f32 to vector<77x77xf32>
    %broadcast_in_dim3A_2 = vector.broadcast %jit3A_1 : f32 to vector<77x77xf32>
    %select_n3A = arith.select %le3A, %broadcast_in_dim3A, %broadcast_in_dim3A_2 : vector<77x77xi1>, vector<77x77xf32>
    %broadcast_in_dim3A_3 = vector.shape_cast %select_n3A : vector<77x77xf32> to vector<1x1x77x77xf32>
    %broadcast_in_dim3A_4 = vector.shape_cast %broadcast_in_dim3A_3 : vector<1x1x77x77xf32> to vector<1x1x77x77xf32>
    %broadcast_in_dim3A_5 = vector.broadcast %broadcast_in_dim3A_4 : vector<1x1x77x77xf32> to vector<32x1x77x77xf32>
    %swap3A = arith.constant 0 : index
    %swap3A_6 = arith.constant 0 : index
    %swap3A_7 = arith.constant 0 : index
    %swap3A_8 = arith.constant 0 : index
    %swap3A_9 = vector.load %arg1[%swap3A, %swap3A_6, %swap3A_7, %swap3A_8] : memref<32x1x77x77xf32, #tpu.memory_space<vmem>>, vector<32x1x77x77xf32>
    tpu.vector_store %arg1[%swap3A, %swap3A_6, %swap3A_7, %swap3A_8], %broadcast_in_dim3A_5 {strides = array<i32>} : memref<32x1x77x77xf32, #tpu.memory_space<vmem>>, vector<32x1x77x77xf32>,
    return
  }
  func.func @transform_0(%arg0: i32) -> (i32, i32, i32, i32) {
    %c0_i32 = arith.constant 0 : i32
    %c0_i32_0 = arith.constant 0 : i32
    %c0_i32_1 = arith.constant 0 : i32
    %c0_i32_2 = arith.constant 0 : i32
    return %arg0, %c0_i32, %c0_i32_0, %c0_i32_1 : i32, i32, i32, i32
  }
}

</mosaic_0001>

<sc_bundles>
// kernel: kernel.4.cloned.1.call-start
scs
__scs_entry_jumppad:
0x0: {  	(pc) =	sbr.rel $0x88, $3  }
0x1: {  	(tag) =	ssettag $0x0;
	lr =	simm.s32 $0x1  }
0x2: {  	[smem:$0x3F9C] =	sst lr;
	_ =	strace $0xD0000000  }
0x3: {  	_ = 	snop  }
0x4: {  	_ = 	snop  }
0x5: {  	_ = 	snop  }
0x6: {  	_ = 	snop  }
0x7: {  	_ = 	snop  }
__scs_overlays_trampoline_lowered:
0x8: {  	[smem:$0x3FAB] =	sst s0  }
0x9: {  	[smem:$0x3FAC] =	sst s1  }
0xa: {  	[smem:$0x3FAD] =	sst s2  }
0xb: {  	[smem:$0x3FAE] =	sst s3  }
0xc: {  	[smem:$0x3FAF] =	sst s4  }
0xd: {  	[smem:$0x3FB0] =	sst s5  }
0xe: {  	[smem:$0x3FB1] =	sst s6  }
0xf: {  	[smem:$0x3FB2] =	sst s7  }
0x10: {  	[smem:$0x3FB3] =	sst s8  }
0x11: {  	[smem:$0x3FB4] =	sst s9;
	s0 =	simm.s32 @!p0 $0x0  }
0x12: {  	s1 =	sld [smem:$0x3F9A];
	s0 =	simm.s32 @p0 $0x1  }
0x13: {  	[smem:$0x3FB5] =	sst s0;
	s0 =	simm.s32 @!p1 $0x0  }
0x14: {  	s2 =	sld [smem:$0x3F99];
	s0 =	simm.s32 @p1 $0x1  }
0x15: {  	[smem:$0x3FB6] =	sst s0;
	s0 =	simm.s32 @!p2 $0x0  }
0x16: {  	s3 =	sld [smem:$0x3FDB];
	s0 =	simm.s32 @p2 $0x1  }
0x17: {  	s4 =	simm.s32 $0x1BF5;
	[smem:$0x3FB8] =	sst s0  }
0x18: {  	s0 =	sld [smem:$0x3F9B];
	_ =	swait.ge [sflag:s4], $0x0  }
0x19: {  	s7 =	sld [smem:$0x3F9C]  }
0x1a: {  	s8 =	sadd.s32 $0xFFFFE003, lr  }
0x1b: {  	s9 =	sadd.s32 $0xFFFFFEF7, lr;
	s5 =	simm.s32 $0xFFFFFFFF;
	p2 =	slt.u32 s8, $0xFFFFF086  }
0x1c: {  	p1 =	slt.u32 s9, $0xF7A;
	s5 =	simm.s32 @!p2 $0x0  }
0x1d: {  	s5 =	simm.s32 @p1 $0x1;
	p0 =	seq.s32 s7, s2  }
0x1e: {  	s7 =	smul.u32 @!p0 $0xF7A, s2;
	p2 =	seq.s32 @!p0 s5, $0x0  }
0x1f: {  	s9 =	smul.u32 $0xF7A, s1;
	s8 =	simm.s32 @!p0 $0x1BF5;
	p2 =	por !p2, p0  }
0x20: {  	[sflag:s8] =	ssyncset.s32 @!p0 $0xFFFFF086;
	s6 =	sadd.s32 @!p0 s3, s7;
	s7 =	simm.s32 @!p0 $0x108  }
0x21: {  	s3 =	sadd.s32 s3, s9;
	s6 =	sadd.s32 @!p0 $0x88, s6;
	s7 =	simm.s32 @p2 $0x1082  }
0x22: {  	[simem:s7], [sflag:s8] =	dma.local @!p0 [hbm:s6], $0xF7A  }
0x23: {  	s9 =	sor.u32 $0xD0000000, s2;
	s6 =	simm.s32 $0x108;
	_ =	swait.ge @!p0 [sflag:s8], $0x0  }
0x24: {  	s3 =	sadd.s32 $0x88, s3;
	s6 =	simm.s32 @!p1 $0x1082;
	[sflag:s4] =	ssyncset.s32 $0xFFFFF086  }
0x25: {  	[simem:s6], [sflag:s4] =	dma.local [hbm:s3], $0xF7A  }
0x26: {  	[smem:$0x3F9C] =	sst s1;
	(tag) =	ssettag s2;
	_ =	strace s9  }
0x27: {  	s1 =	sld [smem:$0x3FAC]  }
0x28: {  	s2 =	sld [smem:$0x3FAD]  }
0x29: {  	s4 =	sld [smem:$0x3FAF]  }
0x2a: {  	p0 =	seq.s32 s5, $0x0;
	s5 =	sld [smem:$0x3FB0]  }
0x2b: {  	s6 =	sld [smem:$0x3FB1]  }
0x2c: {  	s7 =	sld [smem:$0x3FB2]  }
0x2d: {  	s3 =	simm.s32 $0x108;
	s8 =	sld [smem:$0x3FB3]  }
0x2e: {  	s3 =	simm.s32 @!p0 $0x1082;
	s9 =	sld [smem:$0x3FB4]  }
0x2f: {  	lr =	sadd.s32 s0, s3;
	s0 =	sld [smem:$0x3FAB]  }
0x30: {  	s3 =	sld [smem:$0x3FAE]  }
0x31: {  	[smem:$0x3FB7] =	sst s10  }
0x32: {  	s10 =	sld [smem:$0x3FB5];
	_ =	sdelay $0x3  }
0x33: {  	p0 =	seq.s32 s10, $0x1;
	s10 =	sld [smem:$0x3FB7];
	_ =	sdelay $0x3  }
0x34: {  	[smem:$0x3FB7] =	sst s10  }
0x35: {  	s10 =	sld [smem:$0x3FB6];
	_ =	sdelay $0x3  }
0x36: {  	p1 =	seq.s32 s10, $0x1;
	s10 =	sld [smem:$0x3FB7];
	_ =	sdelay $0x3  }
0x37: {  	[smem:$0x3FB7] =	sst s10  }
0x38: {  	s10 =	sld [smem:$0x3FB8]  }
0x39: {  	_ = 	snop;
	(pc) =	sbr.ind lr, $3  }
0x3a: {  	_ = 	snop  }
0x3b: {  	_ = 	snop  }
0x3c: {  	p2 =	seq.s32 s10, $0x1;
	s10 =	sld [smem:$0x3FB7]  }
0x3d: {  	_ =	shalt  }
0x3e: {  	_ =	shalt  }
0x3f: {  	_ =	shalt  }
0x40: {  	_ =	shalt  }
0x41: {  	_ =	shalt  }
0x42: {  	_ =	shalt  }
0x43: {  	_ =	shalt  }
0x44: {  	_ =	shalt  }
0x45: {  	_ =	shalt  }
0x46: {  	_ =	shalt  }
0x47: {  	_ =	shalt  }
0x48: {  	_ =	shalt  }
0x49: {  	_ =	shalt  }
0x4a: {  	_ =	shalt  }
0x4b: {  	_ =	shalt  }
0x4c: {  	_ =	shalt  }
0x4d: {  	_ =	shalt  }
0x4e: {  	_ =	shalt  }
0x4f: {  	_ =	shalt  }
0x50: {  	_ =	shalt  }
0x51: {  	_ =	shalt  }
0x52: {  	_ =	shalt  }
0x53: {  	_ =	shalt  }
0x54: {  	_ =	shalt  }
0x55: {  	_ =	shalt  }
0x56: {  	_ =	shalt  }
0x57: {  	_ =	shalt  }
0x58: {  	_ =	shalt  }
0x59: {  	_ =	shalt  }
0x5a: {  	_ =	shalt  }
0x5b: {  	_ =	shalt  }
0x5c: {  	_ =	shalt  }
0x5d: {  	_ =	shalt  }
0x5e: {  	_ =	shalt  }
0x5f: {  	_ =	shalt  }
0x60: {  	_ =	shalt  }
0x61: {  	_ =	shalt  }
0x62: {  	_ =	shalt  }
0x63: {  	_ =	shalt  }
0x64: {  	_ =	shalt  }
0x65: {  	_ =	shalt  }
0x66: {  	_ =	shalt  }
0x67: {  	_ =	shalt  }
0x68: {  	_ =	shalt  }
0x69: {  	_ =	shalt  }
0x6a: {  	_ =	shalt  }
0x6b: {  	_ =	shalt  }
0x6c: {  	_ =	shalt  }
0x6d: {  	_ =	shalt  }
0x6e: {  	_ =	shalt  }
0x6f: {  	_ =	shalt  }
0x70: {  	_ =	shalt  }
0x71: {  	_ =	shalt  }
0x72: {  	_ =	shalt  }
0x73: {  	_ =	shalt  }
0x74: {  	_ =	shalt  }
0x75: {  	_ =	shalt  }
0x76: {  	_ =	shalt  }
0x77: {  	_ =	shalt  }
0x78: {  	_ =	shalt  }
0x79: {  	_ =	shalt  }
0x7a: {  	_ =	shalt  }
0x7b: {  	_ =	shalt  }
0x7c: {  	_ =	shalt  }
0x7d: {  	_ =	shalt  }
0x7e: {  	_ =	shalt  }
0x7f: {  	_ =	shalt  }
0x80: {  	_ =	shalt  }
0x81: {  	_ =	shalt  }
0x82: {  	_ =	shalt  }
0x83: {  	_ =	shalt  }
0x84: {  	_ =	shalt  }
0x85: {  	_ =	shalt  }
0x86: {  	_ =	shalt  }
0x87: {  	_ =	shalt  }
.Lfunc_end0:
.L_simem_size_0:
called_computation_lowered:
.L_overlay_start_0:
0x88: {  	s2 =	sld [smem:$0x3FD9]  }
0x89: {  	s3 =	sld [smem:$0x3FFE];
	_ =	sdelay $0x1  }
0x8a: {  	s1 =	srdreg.scid  }
0x8b: {  	s0 =	sand.u32 $0x1, s1  }
0x8c: {  	s15 =	sshll.u32 s0, $0xA;
	s2 =	sadd.s32 s3, s2  }
0x8d: {  	s2 =	sadd.s32 s2, s15  }
0x8e: {  	[smem:$0x3FC3] =	sst s2  }
0x8f: {  	_ = 	snop  }
0x90: {  	s2 =	sld [smem:$0x3FD0];
	_ =	sdelay $0x2  }
0x91: {  	s4 =	simm.s32 $0xA;
	s5 =	simm.s32 $0x10;
	s16 =	sld [smem:$0x3FC6]  }
0x92: {  	[smem:s5], [sflag:s4] =	dma.local [hbm:s2], $0x1  }
0x93: {  	_ =	swait.eq [sflag:s4], $0x1  }
0x94: {  	s17 =	sld [smem:$0x10];
	[sflag:s4] =	ssyncset.done $0x0  }
0x95: {  	s18 =	sld [smem:$0x11];
	[sflag:s4] =	ssyncadd.s32 $0xFFFFFFFF  }
0x96: {  	s19 =	sld [smem:$0x12];
	(tm) =	ssettm $0x1  }
0x97: {  	s6 =	sld [smem:$0x3FFB];
	_ =	sdelay $0x3  }
0x98: {  	_ =	strace s6  }
0x99: {  	s6 =	sld [smem:$0x3FFC];
	_ =	sdelay $0x3  }
0x9a: {  	_ =	strace s6  }
0x9b: {  	s6 =	sld [smem:$0x3FFD];
	_ =	sdelay $0x3  }
0x9c: {  	_ =	strace s6  }
0x9d: {  	_ =	strace $0x8FFFFFFF  }
0x9e: {  	s20 =	sld [smem:$0x3FDB];
	_ =	sdelay $0x1  }
0x9f: {  	s7 =	simm.s32 $_scs_section_size  }
0xa0: {  	s8 =	simm.s32 $_size__tile_overlayer_lowered;
	s9 =	simm.s32 $_tile_overlayer_lowered  }
0xa1: {  	s23 =	simm.s32 $0x1BFF;
	s22 =	sshll.u32 s9, $0x1;
	s6 =	sadd.s32 s7, s20  }
0xa2: {  	s10 =	simm.s32 $0x0;
	s21 =	sshll.u32 s8, $0x1;
	s8 =	sadd.s32 s22, s6  }
0xa3: {  	[timem:s10], [sflag:s23] =	dma.local [hbm:s8], s21  }
0xa4: {  	_ =	swait.ge [sflag:s23], s21  }
0xa5: {  	s7 =	ssub.s32 $0x0, s21;
	[sflag:s23] =	ssyncset.done $0x0  }
0xa6: {  	[sflag:s23] =	ssyncadd.s32 s7;
	_ =	sdelay $0x1  }
0xa7: {  	s24 =	simm.s32 $0x1B8B  }
0xa8: {  	_ =	swait.ge [sflag:s24], $0x1  }
0xa9: {  	[sflag:s24] =	ssyncset.done $0x0  }
0xaa: {  	s25 =	simm.s32 $0x1B8E;
	[sflag:s24] =	ssyncadd.s32 $0xFFFFFFFF  }
0xab: {  	s26 =	simm.s32 $execute0_lowered;
	[smem:$0x3FD2] =	sst s25  }
0xac: {  	s7 =	sshll.u32 s26, $0x1;
	_ =	strace $0x80000046;
	[dreg:$0x1] =	wrdreg $0xFFFFFFFF  }
0xad: {  	s28 =	simm.s32 $_size_execute0_lowered;
	s6 =	sadd.s32 s6, s7;
	[dreg:$0x0] =	wrdreg $0x0  }
0xae: {  	s7 =	sshll.u32 s28, $0x1;
	[dreg:$0x2] =	wrdreg s6  }
0xaf: {  	[dreg:$0x3] =	wrdreg s7  }
0xb0: {  	[dreg:$0x4] =	wrdreg $0xC0  }
0xb1: {  	_ =	task [dreg:s10], $0x5FFFF  }
0xb2: {  	[dreg:$0x1] =	wrdreg $0xFFFFFFFF  }
0xb3: {  	[dreg:$0x0] =	wrdreg $0x60  }
0xb4: {  	[dreg:$0x2] =	wrdreg s18  }
0xb5: {  	[dreg:$0x3] =	wrdreg s16  }
0xb6: {  	[dreg:$0x4] =	wrdreg s17  }
0xb7: {  	[dreg:$0x5] =	wrdreg s19  }
0xb8: {  	[dreg:$0x6] =	wrdreg $0x9  }
0xb9: {  	_ =	task.clear_ibuf [dreg:s10], $0x7FFFF;
	_ =	strace $0x90000046  }
0xba: {  	s29 =	simm.s32 $0x9;
	_ =	strace $0x80000048  }
0xbb: {  	_ =	swait.ge [sflag:s29], $0x1  }
0xbc: {  	[sflag:s29] =	ssyncadd.s32 $0xFFFFFFFF  }
0xbd: {  	_ =	strace $0x90000048  }
0xbe: {  	_ =	sfence  }
0xbf: {  	s30 =	sld [smem:$0x0];
	_ =	sdelay $0x2  }
0xc0: {  	s31 =	sshll.u32 s1, $0xD;
	s1 =	sshrl.u32 s1, $0x2  }
0xc1: {  	s3 =	sand.u32 $0x4000, s31;
	s1 =	sadd.s32 s1, s30  }
0xc2: {  	s0 =	sor.u32 s3, s0;
	s1 =	sshll.u32 s1, $0x11  }
0xc3: {  	s0 =	sor.u32 s1, s0  }
0xc4: {  	s0 =	sadd.s32 $0x8F2B, s0  }
0xc5: {  	[sflag:s0] =	ssyncadd.remote.s32 $0x1  }
0xc6: {  	_ =	sfence.sel $0xFFFF  }
0xc7: {  	[dreg:$0x0] =	wrdreg $0xFFFFFFFF;
	(pc) =	sbr.abs _section_cstart, $3  }
0xc8: {  	[dreg:$0x1] =	wrdreg $0xFFFFFFFF  }
0xc9: {  	_ =	task.clear_ibuf [dreg:s10], $0x2FFFF;
	_ =	strace $0x9FFFFFFF  }
0xca: {  	(tm) =	ssettm $0x7FFFFFFF  }
0xcb: {  	_ =	shalt  }
tec
execute0_lowered:
.L_overlay_start_1:
0x0: {  	(tag) =	ssettag $0x1  }
0x1: {  	s0 =	rddreg [dreg:$0x0]  }
0x2: {  	s2 =	rddreg [dreg:$0x1]  }
0x3: {  	s4 =	rddreg [dreg:$0x3]  }
0x4: {  	s1 =	srdreg.scid;
	s3 =	stileid.u32  }
0x5: {  	s5 =	simm.s32 $0x0;
	s13 =	simm.s32 $0x10D80;
	s25 =	simm.s32 $0x1  }
0x6: {  	s26 =	simm.s32 $0x16D80;
	s31 =	simm.s32 $0x18D80;
	s12 =	simm.s32 $0x1AD80  }
0x7: {  	s14 =	simm.s32 $0x1B580;
	s15 =	simm.s32 $0x1BD80;
	s16 =	simm.s32 $0x1C580  }
0x8: {  	s17 =	simm.s32 $0x2;
	s1 =	sand.u32 $0x1, s1;
	s3 =	sshll.u32 s3, $0x1  }
0x9: {  	s11 =	simm.s32 $0x0;
	s6 =	ssub.s32 $0x2, s1;
	s1 =	sor.u32 s1, s3  }
0xa: {  	[smem:$0x7FF] =	sst s5;
	s8 =	sadd.s32 $0x100, s2;
	s7 =	smul.u32 $0x4D0, s1  }
0xb: {  	s9 =	sadd.s32 $0x200, s2;
	_ =	strace $0x80000047;
	s29 =	sshrl.u32 s6, $0x1  }
0xc: {  	v2 =	vlaneseq.u32;
	s3 =	ssub.s32 s6, s29;
	s0 =	sadd.s32 s0, s7;
	s7 =	sshll.u32 s1, $0x7  }
0xd: {  	vm0 =	vmmov $0xffff;
	v1 =	vshrl.u32 v2, $0x3;
	s30 =	smax.u32 s3, $0x1;
	s1 =	simm.s32 $0x19D80;
	[dreg:$0x5] =	wrdreg s0  }
0xe: {  	v0 =	vand.u32 $0x7, v2;
	v2 =	vor.u32 $0x8, v2;
	v1 =	vmul.u32 $0x8, v1;
	s3 =	simm.s32 $0x1A580;
	[dreg:$0x6] =	wrdreg s30;
	s0 =	simm.s32 $0x19580  }
.LBB2_1:
0xf: {  	[dreg:$0x7] =	wrdreg s11  }
0x10: {  	s6 =	rddreg [dreg:$0x5];
	s10 =	simm.s32 $0x5  }
0x11: {  	[tilespmem:s5], [sflag:$0x5] =	stream.linear.gather [hbm4b:s6+s5], $0x2680, $0x38;
	[tilespmem:$0x1CD80] =	vst v63  }
0x12: {  	_ =	swait.ge [sflag:s10], $0x2680  }
0x13: {  	[sflag:s10] =	ssyncset.done $0x0  }
0x14: {  	[sflag:s10] =	ssyncadd.s32 $0xFFFFD980  }
0x15: {  	s30 =	simm.s32 $0x2680;
	s29 =	rddreg [dreg:$0x2]  }
0x16: {  	[tilespmem:s30], [sflag:$0x5] =	stream.linear.gather [hbm4b:s29+s5], $0xE700, $0x38;
	[tilespmem:$0x1CD80] =	vst v63  }
0x17: {  	_ =	swait.ge [sflag:s10], $0xE700  }
0x18: {  	[sflag:s10] =	ssyncset.done $0x0  }
0x19: {  	[sflag:s10] =	ssyncadd.s32 $0xFFFF1900  }
0x1a: {  	v3 =	vld [tilespmem:$0x0];
	_ =	sdelay $0x4  }
0x1b: {  	v4 =	vshrl.u32 v3, $0x3  }
0x1c: {  	v4 =	vmul.u32 $0x30, v4  }
0x1d: {  	v3 =	vand.u32 $0x7, v3  }
0x1e: {  	v3 =	vor.u32 v3, v4  }
0x1f: {  	v4 =	vperm.xlane v3, v0;
	_ =	sdelay $0x1  }
0x20: {  	v4 =	vadd.s32 v1, v4;
	_ =	sdelay $0x3  }
0x21: {  	v3 =	vperm.xlane v3, v2  }
0x22: {  	[tilespmem:s13], [sflag:$0x1] =	stream.indirect_vreg.gather [hbm4b:s2+s5], $0x80, v4, vm0, $0xb8;
	[tilespmem:$0x1CD80] =	vst v63  }
0x23: {  	s11 =	simm.s32 $0x11580;
	v3 =	vadd.s32 v1, v3  }
0x24: {  	[tilespmem:s11], [sflag:$0x1] =	stream.indirect_vreg.gather [hbm4b:s8+s5], $0x80, v4, vm0, $0xb8;
	[tilespmem:$0x1CD80] =	vst v63  }
0x25: {  	s18 =	simm.s32 $0x11D80  }
0x26: {  	[tilespmem:s18], [sflag:$0x1] =	stream.indirect_vreg.gather [hbm4b:s9+s5], $0x80, v4, vm0, $0xb8;
	[tilespmem:$0x1CD80] =	vst v63  }
0x27: {  	s19 =	simm.s32 $0x12580  }
0x28: {  	[tilespmem:s19], [sflag:$0x1] =	stream.indirect_vreg.gather [hbm4b:s2+s5], $0x80, v3, vm0, $0xb8;
	[tilespmem:$0x1CD80] =	vst v63  }
0x29: {  	s20 =	simm.s32 $0x12D80  }
0x2a: {  	[tilespmem:s20], [sflag:$0x1] =	stream.indirect_vreg.gather [hbm4b:s8+s5], $0x80, v3, vm0, $0xb8;
	[tilespmem:$0x1CD80] =	vst v63  }
0x2b: {  	s21 =	simm.s32 $0x13580  }
0x2c: {  	[tilespmem:s21], [sflag:$0x1] =	stream.indirect_vreg.gather [hbm4b:s9+s5], $0x80, v3, vm0, $0xb8;
	[tilespmem:$0x1CD80] =	vst v63  }
0x2d: {  	v3 =	vld [tilespmem:$0x10];
	_ =	sdelay $0x4  }
0x2e: {  	v63 =	vshrl.u32 v3, $0x3  }
0x2f: {  	v4 =	vmul.u32 $0x30, v63  }
0x30: {  	v3 =	vand.u32 $0x7, v3  }
0x31: {  	v3 =	vor.u32 v3, v4  }
0x32: {  	v4 =	vperm.xlane v3, v0;
	_ =	sdelay $0x1  }
0x33: {  	v4 =	vadd.s32 v1, v4;
	_ =	sdelay $0x3  }
0x34: {  	s22 =	simm.s32 $0x13D80;
	v3 =	vperm.xlane v3, v2  }
0x35: {  	[tilespmem:s22], [sflag:$0x1] =	stream.indirect_vreg.gather [hbm4b:s2+s5], $0x80, v4, vm0, $0xb8;
	[tilespmem:$0x1CD80] =	vst v63  }
0x36: {  	s23 =	simm.s32 $0x14580;
	v3 =	vadd.s32 v1, v3  }
0x37: {  	[tilespmem:s23], [sflag:$0x1] =	stream.indirect_vreg.gather [hbm4b:s8+s5], $0x80, v4, vm0, $0xb8;
	[tilespmem:$0x1CD80] =	vst v63  }
0x38: {  	s24 =	simm.s32 $0x14D80  }
0x39: {  	[tilespmem:s24], [sflag:$0x1] =	stream.indirect_vreg.gather [hbm4b:s9+s5], $0x80, v4, vm0, $0xb8;
	[tilespmem:$0x1CD80] =	vst v63  }
0x3a: {  	s28 =	simm.s32 $0x15580  }
0x3b: {  	[tilespmem:s28], [sflag:$0x1] =	stream.indirect_vreg.gather [hbm4b:s2+s5], $0x80, v3, vm0, $0xb8;
	[tilespmem:$0x1CD80] =	vst v63  }
0x3c: {  	s29 =	simm.s32 $0x15D80  }
0x3d: {  	[tilespmem:s29], [sflag:$0x1] =	stream.indirect_vreg.gather [hbm4b:s8+s5], $0x80, v3, vm0, $0xb8;
	[tilespmem:$0x1CD80] =	vst v63  }
0x3e: {  	s30 =	simm.s32 $0x16580;
	s21 =	simm.s32 $0x0  }
0x3f: {  	[tilespmem:s30], [sflag:$0x1] =	stream.indirect_vreg.gather [hbm4b:s9+s5], $0x80, v3, vm0, $0xb8;
	[tilespmem:$0x1CD80] =	vst v63  }
.LBB2_2:
0x40: {  	_ =	swait.ge [sflag:s25], $0x6000  }
0x41: {  	p0 =	seq.s32 s21, $0x0;
	[sflag:s25] =	ssyncset.done $0x0  }
0x42: {  	s6 =	simm.s32 @!p0 $0x4;
	[sflag:s25] =	ssyncadd.s32 $0xFFFFA000  }
0x43: {  	s10 =	sshllo.u32 s21, $0x1;
	_ =	swait.ge @!p0 [sflag:s6], $0x6000  }
0x44: {  	s22 =	sshll.u32 s10, $0x5;
	[sflag:s6] =	ssyncset.done @!p0 $0x0  }
0x45: {  	s28 =	sand.u32 $0x3FFFFFE0, s22;
	[sflag:s6] =	ssyncadd.s32 @!p0 $0xFFFFA000  }
0x46: {  	v3 =	vld [tilespmem:s28+$0x0];
	_ =	sdelay $0x4  }
0x47: {  	v4 =	vshrl.u32 v3, $0x3  }
0x48: {  	v4 =	vmul.u32 $0x30, v4  }
0x49: {  	v3 =	vand.u32 $0x7, v3  }
0x4a: {  	v3 =	vor.u32 v3, v4  }
0x4b: {  	v4 =	vperm.xlane v3, v0;
	_ =	sdelay $0x1  }
0x4c: {  	v4 =	vadd.s32 v1, v4;
	_ =	sdelay $0x3  }
0x4d: {  	s24 =	simm.s32 $0x0;
	v3 =	vperm.xlane v3, v2  }
0x4e: {  	[tilespmem:s26], [sflag:$0x2] =	stream.indirect_vreg.gather [hbm4b:s2+s24], $0x80, v4, vm0, $0xb8;
	[tilespmem:$0x1CD80] =	vst v63  }
0x4f: {  	s29 =	simm.s32 $0x17580;
	v3 =	vadd.s32 v1, v3  }
0x50: {  	[tilespmem:s29], [sflag:$0x2] =	stream.indirect_vreg.gather [hbm4b:s8+s24], $0x80, v4, vm0, $0xb8;
	[tilespmem:$0x1CD80] =	vst v63  }
0x51: {  	s30 =	simm.s32 $0x17D80  }
0x52: {  	[tilespmem:s30], [sflag:$0x2] =	stream.indirect_vreg.gather [hbm4b:s9+s24], $0x80, v4, vm0, $0xb8;
	[tilespmem:$0x1CD80] =	vst v63  }
0x53: {  	s11 =	simm.s32 $0x18580  }
0x54: {  	[tilespmem:s11], [sflag:$0x2] =	stream.indirect_vreg.gather [hbm4b:s2+s24], $0x80, v3, vm0, $0xb8;
	[tilespmem:$0x1CD80] =	vst v63  }
0x55: {  	_ = 	snop  }
0x56: {  	[tilespmem:s31], [sflag:$0x2] =	stream.indirect_vreg.gather [hbm4b:s8+s24], $0x80, v3, vm0, $0xb8;
	[tilespmem:$0x1CD80] =	vst v63  }
0x57: {  	_ = 	snop  }
0x58: {  	[tilespmem:s0], [sflag:$0x2] =	stream.indirect_vreg.gather [hbm4b:s9+s24], $0x80, v3, vm0, $0xb8;
	[tilespmem:$0x1CD80] =	vst v63  }
0x59: {  	v3 =	vld [tilespmem:s28+$0x10];
	_ =	sdelay $0x4  }
0x5a: {  	v4 =	vshrl.u32 v3, $0x3  }
0x5b: {  	v4 =	vmul.u32 $0x30, v4  }
0x5c: {  	v3 =	vand.u32 $0x7, v3  }
0x5d: {  	v3 =	vor.u32 v3, v4  }
0x5e: {  	v4 =	vperm.xlane v3, v0;
	_ =	sdelay $0x1  }
0x5f: {  	v4 =	vadd.s32 v1, v4;
	_ =	sdelay $0x3  }
0x60: {  	v3 =	vperm.xlane v3, v2  }
0x61: {  	[tilespmem:s1], [sflag:$0x2] =	stream.indirect_vreg.gather [hbm4b:s2+s24], $0x80, v4, vm0, $0xb8;
	[tilespmem:$0x1CD80] =	vst v63  }
0x62: {  	v3 =	vadd.s32 v1, v3  }
0x63: {  	[tilespmem:s3], [sflag:$0x2] =	stream.indirect_vreg.gather [hbm4b:s8+s24], $0x80, v4, vm0, $0xb8;
	[tilespmem:$0x1CD80] =	vst v63  }
0x64: {  	_ = 	snop  }
0x65: {  	[tilespmem:s12], [sflag:$0x2] =	stream.indirect_vreg.gather [hbm4b:s9+s24], $0x80, v4, vm0, $0xb8;
	[tilespmem:$0x1CD80] =	vst v63  }
0x66: {  	s6 =	sshrl.u32 s21, $0x1  }
0x67: {  	[tilespmem:s14], [sflag:$0x2] =	stream.indirect_vreg.gather [hbm4b:s2+s24], $0x80, v3, vm0, $0xb8;
	[tilespmem:$0x1CD80] =	vst v63  }
0x68: {  	s18 =	smul.u32 $0xC00, s6  }
0x69: {  	[tilespmem:s15], [sflag:$0x2] =	stream.indirect_vreg.gather [hbm4b:s8+s24], $0x80, v3, vm0, $0xb8;
	[tilespmem:$0x1CD80] =	vst v63  }
0x6a: {  	s23 =	sshra.s32 s18, $0x2  }
0x6b: {  	[tilespmem:s16], [sflag:$0x2] =	stream.indirect_vreg.gather [hbm4b:s9+s24], $0x80, v3, vm0, $0xb8;
	[tilespmem:$0x1CD80] =	vst v63  }
0x6c: {  	s19 =	simm.s32 $0x0;
	v3 =	vld [tilespmem:s23+$0x2680]  }
0x6d: {  	s10 =	smul.u32 $0x6000, s19;
	_ =	sdelay $0x1  }
0x6e: {  	s10 =	sshra.s32 s10, $0x2;
	s11 =	sand.u32 $0x380, s24  }
0x6f: {  	s10 =	sor.u32 s11, s10  }
0x70: {  	[tilespmem:s10+$0x10D80] =	vst.add.f32.msk $0xffff, v3  }
0x71: {  	v3 =	vld [tilespmem:s23+$0x2690];
	_ =	sdelay $0x2  }
0x72: {  	s11 =	sadd.s32 $0x10D80, s10  }
0x73: {  	s18 =	sor.u32 $0x10, s11  }
0x74: {  	[tilespmem:s18+$0x0] =	vst.add.f32.msk $0xffff, v3  }
0x75: {  	v3 =	vld [tilespmem:s23+$0x26A0];
	_ =	sdelay $0x3  }
0x76: {  	s20 =	sor.u32 $0x20, s11  }
0x77: {  	[tilespmem:s20+$0x0] =	vst.add.f32.msk $0xffff, v3  }
0x78: {  	v3 =	vld [tilespmem:s23+$0x26B0];
	_ =	sdelay $0x3  }
0x79: {  	s28 =	sor.u32 $0x30, s11  }
0x7a: {  	[tilespmem:s28+$0x0] =	vst.add.f32.msk $0xffff, v3  }
0x7b: {  	v3 =	vld [tilespmem:s23+$0x26C0];
	_ =	sdelay $0x3  }
0x7c: {  	s29 =	sor.u32 $0x40, s11  }
0x7d: {  	[tilespmem:s29+$0x0] =	vst.add.f32.msk $0xffff, v3  }
0x7e: {  	v3 =	vld [tilespmem:s23+$0x26D0];
	_ =	sdelay $0x3  }
0x7f: {  	s30 =	sor.u32 $0x50, s11  }
0x80: {  	[tilespmem:s30+$0x0] =	vst.add.f32.msk $0xffff, v3  }
0x81: {  	v3 =	vld [tilespmem:s23+$0x26E0];
	_ =	sdelay $0x3  }
0x82: {  	s19 =	sor.u32 $0x60, s11  }
0x83: {  	[tilespmem:s19+$0x0] =	vst.add.f32.msk $0xffff, v3  }
0x84: {  	v3 =	vld [tilespmem:s23+$0x26F0];
	_ =	sdelay $0x3  }
0x85: {  	s20 =	sor.u32 $0x70, s11  }
0x86: {  	[tilespmem:s20+$0x0] =	vst.add.f32.msk $0xffff, v3  }
0x87: {  	v3 =	vld [tilespmem:s23+$0x2700];
	_ =	sdelay $0x4  }
0x88: {  	[tilespmem:s11+$0x400] =	vst.add.f32.msk $0xffff, v3  }
0x89: {  	v3 =	vld [tilespmem:s23+$0x2710];
	_ =	sdelay $0x4  }
0x8a: {  	[tilespmem:s11+$0x410] =	vst.add.f32.msk $0xffff, v3  }
0x8b: {  	v3 =	vld [tilespmem:s23+$0x2720];
	_ =	sdelay $0x4  }
0x8c: {  	[tilespmem:s11+$0x420] =	vst.add.f32.msk $0xffff, v3  }
0x8d: {  	v3 =	vld [tilespmem:s23+$0x2730];
	_ =	sdelay $0x4  }
0x8e: {  	[tilespmem:s11+$0x430] =	vst.add.f32.msk $0xffff, v3  }
0x8f: {  	v3 =	vld [tilespmem:s23+$0x2740];
	_ =	sdelay $0x4  }
0x90: {  	[tilespmem:s11+$0x440] =	vst.add.f32.msk $0xffff, v3  }
0x91: {  	v3 =	vld [tilespmem:s23+$0x2750];
	_ =	sdelay $0x4  }
0x92: {  	[tilespmem:s11+$0x450] =	vst.add.f32.msk $0xffff, v3  }
0x93: {  	v3 =	vld [tilespmem:s23+$0x2760];
	_ =	sdelay $0x4  }
0x94: {  	[tilespmem:s11+$0x460] =	vst.add.f32.msk $0xffff, v3  }
0x95: {  	v3 =	vld [tilespmem:s23+$0x2770];
	_ =	sdelay $0x4  }
0x96: {  	[tilespmem:s11+$0x470] =	vst.add.f32.msk $0xffff, v3  }
0x97: {  	v3 =	vld [tilespmem:s23+$0x2780];
	_ =	sdelay $0x4  }
0x98: {  	[tilespmem:s10+$0x11580] =	vst.add.f32.msk $0xffff, v3  }
0x99: {  	v3 =	vld [tilespmem:s23+$0x2790];
	_ =	sdelay $0x2  }
0x9a: {  	s11 =	sadd.s32 $0x11580, s10  }
0x9b: {  	s28 =	sor.u32 $0x10, s11  }
0x9c: {  	[tilespmem:s28+$0x0] =	vst.add.f32.msk $0xffff, v3  }
0x9d: {  	v3 =	vld [tilespmem:s23+$0x27A0];
	_ =	sdelay $0x3  }
0x9e: {  	s29 =	sor.u32 $0x20, s11  }
0x9f: {  	[tilespmem:s29+$0x0] =	vst.add.f32.msk $0xffff, v3  }
0xa0: {  	v3 =	vld [tilespmem:s23+$0x27B0];
	_ =	sdelay $0x3  }
0xa1: {  	s30 =	sor.u32 $0x30, s11  }
0xa2: {  	[tilespmem:s30+$0x0] =	vst.add.f32.msk $0xffff, v3  }
0xa3: {  	v3 =	vld [tilespmem:s23+$0x27C0];
	_ =	sdelay $0x3  }
0xa4: {  	s19 =	sor.u32 $0x40, s11  }
0xa5: {  	[tilespmem:s19+$0x0] =	vst.add.f32.msk $0xffff, v3  }
0xa6: {  	v3 =	vld [tilespmem:s23+$0x27D0];
	_ =	sdelay $0x3  }
0xa7: {  	s20 =	sor.u32 $0x50, s11  }
0xa8: {  	[tilespmem:s20+$0x0] =	vst.add.f32.msk $0xffff, v3  }
0xa9: {  	v3 =	vld [tilespmem:s23+$0x27E0];
	_ =	sdelay $0x3  }
0xaa: {  	s28 =	sor.u32 $0x60, s11  }
0xab: {  	[tilespmem:s28+$0x0] =	vst.add.f32.msk $0xffff, v3  }
0xac: {  	v3 =	vld [tilespmem:s23+$0x27F0];
	_ =	sdelay $0x3  }
0xad: {  	s11 =	sor.u32 $0x70, s11  }
0xae: {  	[tilespmem:s11+$0x0] =	vst.add.f32.msk $0xffff, v3  }
0xaf: {  	v3 =	vld [tilespmem:s23+$0x2800];
	_ =	sdelay $0x4  }
0xb0: {  	[tilespmem:s10+$0x11980] =	vst.add.f32.msk $0xffff, v3  }
0xb1: {  	v3 =	vld [tilespmem:s23+$0x2810];
	_ =	sdelay $0x2  }
0xb2: {  	s11 =	sadd.s32 $0x11980, s10  }
0xb3: {  	s29 =	sor.u32 $0x10, s11  }
0xb4: {  	[tilespmem:s29+$0x0] =	vst.add.f32.msk $0xffff, v3  }
0xb5: {  	v3 =	vld [tilespmem:s23+$0x2820];
	_ =	sdelay $0x3  }
0xb6: {  	s30 =	sor.u32 $0x20, s11  }
0xb7: {  	[tilespmem:s30+$0x0] =	vst.add.f32.msk $0xffff, v3  }
0xb8: {  	v3 =	vld [tilespmem:s23+$0x2830];
	_ =	sdelay $0x3  }
0xb9: {  	s19 =	sor.u32 $0x30, s11  }
0xba: {  	[tilespmem:s19+$0x0] =	vst.add.f32.msk $0xffff, v3  }
0xbb: {  	v3 =	vld [tilespmem:s23+$0x2840];
	_ =	sdelay $0x3  }
0xbc: {  	s20 =	sor.u32 $0x40, s11  }
0xbd: {  	[tilespmem:s20+$0x0] =	vst.add.f32.msk $0xffff, v3  }
0xbe: {  	v3 =	vld [tilespmem:s23+$0x2850];
	_ =	sdelay $0x3  }
0xbf: {  	s28 =	sor.u32 $0x50, s11  }
0xc0: {  	[tilespmem:s28+$0x0] =	vst.add.f32.msk $0xffff, v3  }
0xc1: {  	v3 =	vld [tilespmem:s23+$0x2860];
	_ =	sdelay $0x3  }
0xc2: {  	s29 =	sor.u32 $0x60, s11  }
0xc3: {  	[tilespmem:s29+$0x0] =	vst.add.f32.msk $0xffff, v3  }
0xc4: {  	v3 =	vld [tilespmem:s23+$0x2870];
	_ =	sdelay $0x3  }
0xc5: {  	s11 =	sor.u32 $0x70, s11  }
0xc6: {  	[tilespmem:s11+$0x0] =	vst.add.f32.msk $0xffff, v3  }
0xc7: {  	v3 =	vld [tilespmem:s23+$0x2880];
	_ =	sdelay $0x4  }
0xc8: {  	[tilespmem:s10+$0x11D80] =	vst.add.f32.msk $0xffff, v3  }
0xc9: {  	v3 =	vld [tilespmem:s23+$0x2890];
	_ =	sdelay $0x2  }
0xca: {  	s11 =	sadd.s32 $0x11D80, s10  }
0xcb: {  	s30 =	sor.u32 $0x10, s11  }
0xcc: {  	[tilespmem:s30+$0x0] =	vst.add.f32.msk $0xffff, v3  }
0xcd: {  	v3 =	vld [tilespmem:s23+$0x28A0];
	_ =	sdelay $0x3  }
0xce: {  	s19 =	sor.u32 $0x20, s11  }
0xcf: {  	[tilespmem:s19+$0x0] =	vst.add.f32.msk $0xffff, v3  }
0xd0: {  	v3 =	vld [tilespmem:s23+$0x28B0];
	_ =	sdelay $0x3  }
0xd1: {  	s20 =	sor.u32 $0x30, s11  }
0xd2: {  	[tilespmem:s20+$0x0] =	vst.add.f32.msk $0xffff, v3  }
0xd3: {  	v3 =	vld [tilespmem:s23+$0x28C0];
	_ =	sdelay $0x3  }
0xd4: {  	s28 =	sor.u32 $0x40, s11  }
0xd5: {  	[tilespmem:s28+$0x0] =	vst.add.f32.msk $0xffff, v3  }
0xd6: {  	v3 =	vld [tilespmem:s23+$0x28D0];
	_ =	sdelay $0x3  }
0xd7: {  	s29 =	sor.u32 $0x50, s11  }
0xd8: {  	[tilespmem:s29+$0x0] =	vst.add.f32.msk $0xffff, v3  }
0xd9: {  	v3 =	vld [tilespmem:s23+$0x28E0];
	_ =	sdelay $0x3  }
0xda: {  	s30 =	sor.u32 $0x60, s11  }
0xdb: {  	[tilespmem:s30+$0x0] =	vst.add.f32.msk $0xffff, v3  }
0xdc: {  	v3 =	vld [tilespmem:s23+$0x28F0];
	_ =	sdelay $0x3  }
0xdd: {  	s11 =	sor.u32 $0x70, s11  }
0xde: {  	[tilespmem:s11+$0x0] =	vst.add.f32.msk $0xffff, v3  }
0xdf: {  	v3 =	vld [tilespmem:s23+$0x2900];
	_ =	sdelay $0x4  }
0xe0: {  	[tilespmem:s10+$0x12180] =	vst.add.f32.msk $0xffff, v3  }
0xe1: {  	v3 =	vld [tilespmem:s23+$0x2910];
	_ =	sdelay $0x2  }
0xe2: {  	s18 =	sadd.s32 $0x12180, s10  }
0xe3: {  	s10 =	sor.u32 $0x10, s18  }
0xe4: {  	[tilespmem:s10+$0x0] =	vst.add.f32.msk $0xffff, v3  }
0xe5: {  	v3 =	vld [tilespmem:s23+$0x2920];
	_ =	sdelay $0x3  }
0xe6: {  	s19 =	sor.u32 $0x20, s18  }
0xe7: {  	[tilespmem:s19+$0x0] =	vst.add.f32.msk $0xffff, v3  }
0xe8: {  	v3 =	vld [tilespmem:s23+$0x2930];
	_ =	sdelay $0x3  }
0xe9: {  	s20 =	sor.u32 $0x30, s18  }
0xea: {  	[tilespmem:s20+$0x0] =	vst.add.f32.msk $0xffff, v3  }
0xeb: {  	v3 =	vld [tilespmem:s23+$0x2940];
	_ =	sdelay $0x3  }
0xec: {  	s28 =	sor.u32 $0x40, s18  }
0xed: {  	[tilespmem:s28+$0x0] =	vst.add.f32.msk $0xffff, v3  }
0xee: {  	v3 =	vld [tilespmem:s23+$0x2950];
	_ =	sdelay $0x3  }
0xef: {  	s29 =	sor.u32 $0x50, s18  }
0xf0: {  	[tilespmem:s29+$0x0] =	vst.add.f32.msk $0xffff, v3  }
0xf1: {  	v3 =	vld [tilespmem:s23+$0x2960];
	_ =	sdelay $0x3  }
0xf2: {  	s30 =	sor.u32 $0x60, s18  }
0xf3: {  	[tilespmem:s30+$0x0] =	vst.add.f32.msk $0xffff, v3  }
0xf4: {  	v3 =	vld [tilespmem:s23+$0x2970];
	_ =	sdelay $0x2  }
0xf5: {  	s11 =	sor.u32 $0x70, s18;
	s10 =	simm.s32 $0x1  }
.LBB2_3:
0xf6: {  	p0 =	sne.s32 s10, $0x1F  }
0xf7: {  	[tilespmem:s11+$0x0] =	vst.add.f32.msk $0xffff, v3;
	s24 =	sadd.s32 $0x80, s24;
	s11 =	smov.u32 s10;
	s10 =	sadd.s32 $0x1, s10  }
0xf8: {  	v3 =	vld [tilespmem:s23+$0x2680];
	s11 =	sshrl.u32 s11, $0x3  }
0xf9: {  	s11 =	smul.u32 $0x6000, s11;
	_ =	sdelay $0x1  }
0xfa: {  	s18 =	sand.u32 $0x380, s24;
	s11 =	sshra.s32 s11, $0x2  }
0xfb: {  	s19 =	sor.u32 s18, s11  }
0xfc: {  	[tilespmem:s19+$0x10D80] =	vst.add.f32.msk $0xffff, v3;
	s28 =	sadd.s32 $0x11580, s19;
	s20 =	sadd.s32 $0x11980, s19;
	s11 =	sadd.s32 $0x11D80, s19  }
0xfd: {  	s18 =	sadd.s32 $0x12180, s19;
	v3 =	vld [tilespmem:s23+$0x2690];
	_ =	sdelay $0x2  }
0xfe: {  	s29 =	sadd.s32 $0x10D80, s19  }
0xff: {  	s30 =	sor.u32 $0x10, s29  }
0x100: {  	[tilespmem:s30+$0x0] =	vst.add.f32.msk $0xffff, v3  }
0x101: {  	v3 =	vld [tilespmem:s23+$0x26A0];
	_ =	sdelay $0x3  }
0x102: {  	s30 =	sor.u32 $0x20, s29  }
0x103: {  	[tilespmem:s30+$0x0] =	vst.add.f32.msk $0xffff, v3  }
0x104: {  	v3 =	vld [tilespmem:s23+$0x26B0];
	_ =	sdelay $0x3  }
0x105: {  	s30 =	sor.u32 $0x30, s29  }
0x106: {  	[tilespmem:s30+$0x0] =	vst.add.f32.msk $0xffff, v3  }
0x107: {  	v3 =	vld [tilespmem:s23+$0x26C0];
	_ =	sdelay $0x3  }
0x108: {  	s30 =	sor.u32 $0x40, s29  }
0x109: {  	[tilespmem:s30+$0x0] =	vst.add.f32.msk $0xffff, v3  }
0x10a: {  	v3 =	vld [tilespmem:s23+$0x26D0];
	_ =	sdelay $0x3  }
0x10b: {  	s30 =	sor.u32 $0x50, s29  }
0x10c: {  	[tilespmem:s30+$0x0] =	vst.add.f32.msk $0xffff, v3  }
0x10d: {  	v3 =	vld [tilespmem:s23+$0x26E0];
	_ =	sdelay $0x3  }
0x10e: {  	s30 =	sor.u32 $0x60, s29  }
0x10f: {  	[tilespmem:s30+$0x0] =	vst.add.f32.msk $0xffff, v3  }
0x110: {  	v3 =	vld [tilespmem:s23+$0x26F0];
	_ =	sdelay $0x3  }
0x111: {  	s30 =	sor.u32 $0x70, s29  }
0x112: {  	[tilespmem:s30+$0x0] =	vst.add.f32.msk $0xffff, v3  }
0x113: {  	v3 =	vld [tilespmem:s23+$0x2700];
	_ =	sdelay $0x4  }
0x114: {  	[tilespmem:s29+$0x400] =	vst.add.f32.msk $0xffff, v3  }
0x115: {  	v3 =	vld [tilespmem:s23+$0x2710];
	_ =	sdelay $0x4  }
0x116: {  	[tilespmem:s29+$0x410] =	vst.add.f32.msk $0xffff, v3  }
0x117: {  	v3 =	vld [tilespmem:s23+$0x2720];
	_ =	sdelay $0x4  }
0x118: {  	[tilespmem:s29+$0x420] =	vst.add.f32.msk $0xffff, v3  }
0x119: {  	v3 =	vld [tilespmem:s23+$0x2730];
	_ =	sdelay $0x4  }
0x11a: {  	[tilespmem:s29+$0x430] =	vst.add.f32.msk $0xffff, v3  }
0x11b: {  	v3 =	vld [tilespmem:s23+$0x2740];
	_ =	sdelay $0x4  }
0x11c: {  	[tilespmem:s29+$0x440] =	vst.add.f32.msk $0xffff, v3  }
0x11d: {  	v3 =	vld [tilespmem:s23+$0x2750];
	_ =	sdelay $0x4  }
0x11e: {  	[tilespmem:s29+$0x450] =	vst.add.f32.msk $0xffff, v3  }
0x11f: {  	v3 =	vld [tilespmem:s23+$0x2760];
	_ =	sdelay $0x4  }
0x120: {  	[tilespmem:s29+$0x460] =	vst.add.f32.msk $0xffff, v3  }
0x121: {  	v3 =	vld [tilespmem:s23+$0x2770];
	_ =	sdelay $0x4  }
0x122: {  	[tilespmem:s29+$0x470] =	vst.add.f32.msk $0xffff, v3  }
0x123: {  	v3 =	vld [tilespmem:s23+$0x2780];
	_ =	sdelay $0x4  }
0x124: {  	[tilespmem:s19+$0x11580] =	vst.add.f32.msk $0xffff, v3  }
0x125: {  	v3 =	vld [tilespmem:s23+$0x2790];
	_ =	sdelay $0x3  }
0x126: {  	s29 =	sor.u32 $0x10, s28  }
0x127: {  	[tilespmem:s29+$0x0] =	vst.add.f32.msk $0xffff, v3  }
0x128: {  	v3 =	vld [tilespmem:s23+$0x27A0];
	_ =	sdelay $0x3  }
0x129: {  	s29 =	sor.u32 $0x20, s28  }
0x12a: {  	[tilespmem:s29+$0x0] =	vst.add.f32.msk $0xffff, v3  }
0x12b: {  	v3 =	vld [tilespmem:s23+$0x27B0];
	_ =	sdelay $0x3  }
0x12c: {  	s29 =	sor.u32 $0x30, s28  }
0x12d: {  	[tilespmem:s29+$0x0] =	vst.add.f32.msk $0xffff, v3  }
0x12e: {  	v3 =	vld [tilespmem:s23+$0x27C0];
	_ =	sdelay $0x3  }
0x12f: {  	s29 =	sor.u32 $0x40, s28  }
0x130: {  	[tilespmem:s29+$0x0] =	vst.add.f32.msk $0xffff, v3  }
0x131: {  	v3 =	vld [tilespmem:s23+$0x27D0];
	_ =	sdelay $0x3  }
0x132: {  	s29 =	sor.u32 $0x50, s28  }
0x133: {  	[tilespmem:s29+$0x0] =	vst.add.f32.msk $0xffff, v3  }
0x134: {  	v3 =	vld [tilespmem:s23+$0x27E0];
	_ =	sdelay $0x3  }
0x135: {  	s29 =	sor.u32 $0x60, s28  }
0x136: {  	[tilespmem:s29+$0x0] =	vst.add.f32.msk $0xffff, v3  }
0x137: {  	v3 =	vld [tilespmem:s23+$0x27F0];
	_ =	sdelay $0x3  }
0x138: {  	s28 =	sor.u32 $0x70, s28  }
0x139: {  	[tilespmem:s28+$0x0] =	vst.add.f32.msk $0xffff, v3  }
0x13a: {  	v3 =	vld [tilespmem:s23+$0x2800];
	_ =	sdelay $0x4  }
0x13b: {  	[tilespmem:s19+$0x11980] =	vst.add.f32.msk $0xffff, v3  }
0x13c: {  	v3 =	vld [tilespmem:s23+$0x2810];
	_ =	sdelay $0x3  }
0x13d: {  	s28 =	sor.u32 $0x10, s20  }
0x13e: {  	[tilespmem:s28+$0x0] =	vst.add.f32.msk $0xffff, v3  }
0x13f: {  	v3 =	vld [tilespmem:s23+$0x2820];
	_ =	sdelay $0x3  }
0x140: {  	s28 =	sor.u32 $0x20, s20  }
0x141: {  	[tilespmem:s28+$0x0] =	vst.add.f32.msk $0xffff, v3  }
0x142: {  	v3 =	vld [tilespmem:s23+$0x2830];
	_ =	sdelay $0x3  }
0x143: {  	s28 =	sor.u32 $0x30, s20  }
0x144: {  	[tilespmem:s28+$0x0] =	vst.add.f32.msk $0xffff, v3  }
0x145: {  	v3 =	vld [tilespmem:s23+$0x2840];
	_ =	sdelay $0x3  }
0x146: {  	s28 =	sor.u32 $0x40, s20  }
0x147: {  	[tilespmem:s28+$0x0] =	vst.add.f32.msk $0xffff, v3  }
0x148: {  	v3 =	vld [tilespmem:s23+$0x2850];
	_ =	sdelay $0x3  }
0x149: {  	s28 =	sor.u32 $0x50, s20  }
0x14a: {  	[tilespmem:s28+$0x0] =	vst.add.f32.msk $0xffff, v3  }
0x14b: {  	v3 =	vld [tilespmem:s23+$0x2860];
	_ =	sdelay $0x3  }
0x14c: {  	s28 =	sor.u32 $0x60, s20  }
0x14d: {  	[tilespmem:s28+$0x0] =	vst.add.f32.msk $0xffff, v3  }
0x14e: {  	v3 =	vld [tilespmem:s23+$0x2870];
	_ =	sdelay $0x3  }
0x14f: {  	s20 =	sor.u32 $0x70, s20  }
0x150: {  	[tilespmem:s20+$0x0] =	vst.add.f32.msk $0xffff, v3  }
0x151: {  	v3 =	vld [tilespmem:s23+$0x2880];
	_ =	sdelay $0x4  }
0x152: {  	[tilespmem:s19+$0x11D80] =	vst.add.f32.msk $0xffff, v3  }
0x153: {  	v3 =	vld [tilespmem:s23+$0x2890];
	_ =	sdelay $0x3  }
0x154: {  	s20 =	sor.u32 $0x10, s11  }
0x155: {  	[tilespmem:s20+$0x0] =	vst.add.f32.msk $0xffff, v3  }
0x156: {  	v3 =	vld [tilespmem:s23+$0x28A0];
	_ =	sdelay $0x3  }
0x157: {  	s20 =	sor.u32 $0x20, s11  }
0x158: {  	[tilespmem:s20+$0x0] =	vst.add.f32.msk $0xffff, v3  }
0x159: {  	v3 =	vld [tilespmem:s23+$0x28B0];
	_ =	sdelay $0x3  }
0x15a: {  	s20 =	sor.u32 $0x30, s11  }
0x15b: {  	[tilespmem:s20+$0x0] =	vst.add.f32.msk $0xffff, v3  }
0x15c: {  	v3 =	vld [tilespmem:s23+$0x28C0];
	_ =	sdelay $0x3  }
0x15d: {  	s20 =	sor.u32 $0x40, s11  }
0x15e: {  	[tilespmem:s20+$0x0] =	vst.add.f32.msk $0xffff, v3  }
0x15f: {  	v3 =	vld [tilespmem:s23+$0x28D0];
	_ =	sdelay $0x3  }
0x160: {  	s20 =	sor.u32 $0x50, s11  }
0x161: {  	[tilespmem:s20+$0x0] =	vst.add.f32.msk $0xffff, v3  }
0x162: {  	v3 =	vld [tilespmem:s23+$0x28E0];
	_ =	sdelay $0x3  }
0x163: {  	s20 =	sor.u32 $0x60, s11  }
0x164: {  	[tilespmem:s20+$0x0] =	vst.add.f32.msk $0xffff, v3  }
0x165: {  	v3 =	vld [tilespmem:s23+$0x28F0];
	_ =	sdelay $0x3  }
0x166: {  	s11 =	sor.u32 $0x70, s11  }
0x167: {  	[tilespmem:s11+$0x0] =	vst.add.f32.msk $0xffff, v3  }
0x168: {  	v3 =	vld [tilespmem:s23+$0x2900];
	_ =	sdelay $0x4  }
0x169: {  	[tilespmem:s19+$0x12180] =	vst.add.f32.msk $0xffff, v3  }
0x16a: {  	v3 =	vld [tilespmem:s23+$0x2910];
	_ =	sdelay $0x3  }
0x16b: {  	s11 =	sor.u32 $0x10, s18  }
0x16c: {  	[tilespmem:s11+$0x0] =	vst.add.f32.msk $0xffff, v3  }
0x16d: {  	v3 =	vld [tilespmem:s23+$0x2920];
	_ =	sdelay $0x3  }
0x16e: {  	s11 =	sor.u32 $0x20, s18  }
0x16f: {  	[tilespmem:s11+$0x0] =	vst.add.f32.msk $0xffff, v3  }
0x170: {  	v3 =	vld [tilespmem:s23+$0x2930];
	_ =	sdelay $0x3  }
0x171: {  	s11 =	sor.u32 $0x30, s18  }
0x172: {  	[tilespmem:s11+$0x0] =	vst.add.f32.msk $0xffff, v3  }
0x173: {  	v3 =	vld [tilespmem:s23+$0x2940];
	_ =	sdelay $0x3  }
0x174: {  	s11 =	sor.u32 $0x40, s18  }
0x175: {  	[tilespmem:s11+$0x0] =	vst.add.f32.msk $0xffff, v3  }
0x176: {  	v3 =	vld [tilespmem:s23+$0x2950];
	_ =	sdelay $0x3  }
0x177: {  	s11 =	sor.u32 $0x50, s18  }
0x178: {  	[tilespmem:s11+$0x0] =	vst.add.f32.msk $0xffff, v3  }
0x179: {  	v3 =	vld [tilespmem:s23+$0x2960];
	_ =	sdelay $0x3  }
0x17a: {  	s11 =	sor.u32 $0x60, s18  }
0x17b: {  	[tilespmem:s11+$0x0] =	vst.add.f32.msk $0xffff, v3  }
.Ltmp0:
0x17c: {  	v3 =	vld [tilespmem:s23+$0x2970];
	(pc) =	sbr.rel @p0 .LBB2_3-.Ltmp0, $2  }
0x17d: {  	_ =	sdelay $0x2  }
0x17e: {  	s11 =	sor.u32 $0x70, s18  }
0x17f: {  	s10 =	sshll.u32 s21, $0x6  }
0x180: {  	s10 =	sand.u32 $0x40, s10  }
0x181: {  	s10 =	sor.u32 s7, s10  }
0x182: {  	s24 =	smul.u32 $0x300000, s6;
	s10 =	sshrl.u32 s10, $0x3  }
0x183: {  	s6 =	smul.u32 $0x1800, s10;
	_ =	sdelay $0x1  }
0x184: {  	s6 =	sadd.s32 s24, s6  }
0x185: {  	s6 =	sshrl.u32 s6, $0x3  }
0x186: {  	[tilespmem:s11+$0x0] =	vst.add.f32.msk $0xffff, v3;
	s6 =	sadd.s32 s4, s6  }
0x187: {  	[hbm4b:s6+s5] =	stream.linear.scatter [tilespmem:s13], [sflag:$0x3], $0x6000, $0x38;
	[tilespmem:$0x1CD80] =	vst v63  }
0x188: {  	_ =	swait.ge [sflag:s17], $0x6000  }
0x189: {  	p0 =	seq.s32 s21, $0x99;
	[sflag:s17] =	ssyncset.done $0x0  }
0x18a: {  	s6 =	simm.s32 @!p0 $0x3;
	[sflag:s17] =	ssyncadd.s32 $0xFFFFA000  }
0x18b: {  	_ =	swait.ge @!p0 [sflag:s6], $0x6000  }
0x18c: {  	s10 =	sshll.u32 @!p0 s21, $0x6;
	[sflag:s6] =	ssyncset.done @!p0 $0x0  }
0x18d: {  	[sflag:s6] =	ssyncadd.s32 @!p0 $0xFFFFA000;
	s6 =	sand.u32 @!p0 $0x3FFFFFC0, s10  }
0x18e: {  	v3 =	vld @!p0 [tilespmem:s6+$0x40];
	_ =	sdelay $0x4  }
0x18f: {  	v4 =	vshrl.u32 @!p0 v3, $0x3  }
0x190: {  	v4 =	vmul.u32 @!p0 $0x30, v4  }
0x191: {  	v5 =	vlaneseq.u32 @!p0;
	v3 =	vand.u32 @!p0 $0x7, v3  }
0x192: {  	v6 =	vshrl.u32 @!p0 v5, $0x3;
	v3 =	vor.u32 @!p0 v3, v4;
	v4 =	vand.u32 @!p0 $0x7, v5  }
0x193: {  	v6 =	vmul.u32 @!p0 $0x8, v6;
	v7 =	vperm.xlane @!p0 v3, v4;
	_ =	sdelay $0x1  }
0x194: {  	v7 =	vadd.s32 @!p0 v6, v7;
	_ =	sdelay $0x2  }
0x195: {  	v5 =	vor.u32 @!p0 $0x8, v5  }
0x196: {  	vm1 =	vmmov @!p0 $0xffff;
	s11 =	simm.s32 @!p0 $0x10D80;
	s10 =	simm.s32 @!p0 $0x0;
	v3 =	vperm.xlane @!p0 v3, v5  }
0x197: {  	[tilespmem:s11], [sflag:$0x1] =	stream.indirect_vreg.gather @!p0 [hbm4b:s2+s10], $0x80, v7, vm1, $0xb8;
	[tilespmem:$0x1CD80] =	vst v63  }
0x198: {  	v3 =	vadd.s32 @!p0 v6, v3;
	s11 =	simm.s32 @!p0 $0x11580  }
0x199: {  	[tilespmem:s11], [sflag:$0x1] =	stream.indirect_vreg.gather @!p0 [hbm4b:s8+s10], $0x80, v7, vm1, $0xb8;
	[tilespmem:$0x1CD80] =	vst v63  }
0x19a: {  	s11 =	simm.s32 @!p0 $0x11D80  }
0x19b: {  	[tilespmem:s11], [sflag:$0x1] =	stream.indirect_vreg.gather @!p0 [hbm4b:s9+s10], $0x80, v7, vm1, $0xb8;
	[tilespmem:$0x1CD80] =	vst v63  }
0x19c: {  	s11 =	simm.s32 @!p0 $0x12580  }
0x19d: {  	[tilespmem:s11], [sflag:$0x1] =	stream.indirect_vreg.gather @!p0 [hbm4b:s2+s10], $0x80, v3, vm1, $0xb8;
	[tilespmem:$0x1CD80] =	vst v63  }
0x19e: {  	s11 =	simm.s32 @!p0 $0x12D80  }
0x19f: {  	[tilespmem:s11], [sflag:$0x1] =	stream.indirect_vreg.gather @!p0 [hbm4b:s8+s10], $0x80, v3, vm1, $0xb8;
	[tilespmem:$0x1CD80] =	vst v63  }
0x1a0: {  	s11 =	simm.s32 @!p0 $0x13580  }
0x1a1: {  	[tilespmem:s11], [sflag:$0x1] =	stream.indirect_vreg.gather @!p0 [hbm4b:s9+s10], $0x80, v3, vm1, $0xb8;
	[tilespmem:$0x1CD80] =	vst v63  }
0x1a2: {  	v3 =	vld @!p0 [tilespmem:s6+$0x50];
	_ =	sdelay $0x4  }
0x1a3: {  	v7 =	vshrl.u32 @!p0 v3, $0x3  }
0x1a4: {  	v7 =	vmul.u32 @!p0 $0x30, v7  }
0x1a5: {  	v3 =	vand.u32 @!p0 $0x7, v3  }
0x1a6: {  	v3 =	vor.u32 @!p0 v3, v7  }
0x1a7: {  	v4 =	vperm.xlane @!p0 v3, v4;
	_ =	sdelay $0x1  }
0x1a8: {  	v4 =	vadd.s32 @!p0 v6, v4;
	_ =	sdelay $0x3  }
0x1a9: {  	s6 =	simm.s32 @!p0 $0x13D80;
	v3 =	vperm.xlane @!p0 v3, v5  }
0x1aa: {  	[tilespmem:s6], [sflag:$0x1] =	stream.indirect_vreg.gather @!p0 [hbm4b:s2+s10], $0x80, v4, vm1, $0xb8;
	[tilespmem:$0x1CD80] =	vst v63  }
0x1ab: {  	v3 =	vadd.s32 @!p0 v6, v3;
	s6 =	simm.s32 @!p0 $0x14580  }
0x1ac: {  	[tilespmem:s6], [sflag:$0x1] =	stream.indirect_vreg.gather @!p0 [hbm4b:s8+s10], $0x80, v4, vm1, $0xb8;
	[tilespmem:$0x1CD80] =	vst v63  }
0x1ad: {  	s6 =	simm.s32 @!p0 $0x14D80  }
0x1ae: {  	[tilespmem:s6], [sflag:$0x1] =	stream.indirect_vreg.gather @!p0 [hbm4b:s9+s10], $0x80, v4, vm1, $0xb8;
	[tilespmem:$0x1CD80] =	vst v63  }
0x1af: {  	s6 =	simm.s32 @!p0 $0x15580  }
0x1b0: {  	[tilespmem:s6], [sflag:$0x1] =	stream.indirect_vreg.gather @!p0 [hbm4b:s2+s10], $0x80, v3, vm1, $0xb8;
	[tilespmem:$0x1CD80] =	vst v63  }
0x1b1: {  	s6 =	simm.s32 @!p0 $0x15D80  }
0x1b2: {  	[tilespmem:s6], [sflag:$0x1] =	stream.indirect_vreg.gather @!p0 [hbm4b:s8+s10], $0x80, v3, vm1, $0xb8;
	[tilespmem:$0x1CD80] =	vst v63  }
0x1b3: {  	s6 =	simm.s32 @!p0 $0x16580  }
0x1b4: {  	[tilespmem:s6], [sflag:$0x1] =	stream.indirect_vreg.gather @!p0 [hbm4b:s9+s10], $0x80, v3, vm1, $0xb8;
	[tilespmem:$0x1CD80] =	vst v63  }
0x1b5: {  	s11 =	simm.s32 $0x0;
	v3 =	vld [tilespmem:s23+$0x2680]  }
0x1b6: {  	s18 =	smul.u32 $0x6000, s11  }
0x1b7: {  	s6 =	simm.s32 $0x0  }
0x1b8: {  	s10 =	sshra.s32 s18, $0x2;
	s19 =	sand.u32 $0x380, s6  }
0x1b9: {  	s10 =	sor.u32 s19, s10  }
0x1ba: {  	[tilespmem:s10+$0x16D80] =	vst.add.f32.msk $0xffff, v3  }
0x1bb: {  	v3 =	vld [tilespmem:s23+$0x2690];
	_ =	sdelay $0x2  }
0x1bc: {  	s11 =	sadd.s32 $0x16D80, s10  }
0x1bd: {  	s18 =	sor.u32 $0x10, s11  }
0x1be: {  	[tilespmem:s18+$0x0] =	vst.add.f32.msk $0xffff, v3  }
0x1bf: {  	v3 =	vld [tilespmem:s23+$0x26A0];
	_ =	sdelay $0x3  }
0x1c0: {  	s20 =	sor.u32 $0x20, s11  }
0x1c1: {  	[tilespmem:s20+$0x0] =	vst.add.f32.msk $0xffff, v3  }
0x1c2: {  	v3 =	vld [tilespmem:s23+$0x26B0];
	_ =	sdelay $0x3  }
0x1c3: {  	s28 =	sor.u32 $0x30, s11  }
0x1c4: {  	[tilespmem:s28+$0x0] =	vst.add.f32.msk $0xffff, v3  }
0x1c5: {  	v3 =	vld [tilespmem:s23+$0x26C0];
	_ =	sdelay $0x3  }
0x1c6: {  	s29 =	sor.u32 $0x40, s11  }
0x1c7: {  	[tilespmem:s29+$0x0] =	vst.add.f32.msk $0xffff, v3  }
0x1c8: {  	v3 =	vld [tilespmem:s23+$0x26D0];
	_ =	sdelay $0x3  }
0x1c9: {  	s30 =	sor.u32 $0x50, s11  }
0x1ca: {  	[tilespmem:s30+$0x0] =	vst.add.f32.msk $0xffff, v3  }
0x1cb: {  	v3 =	vld [tilespmem:s23+$0x26E0];
	_ =	sdelay $0x3  }
0x1cc: {  	s19 =	sor.u32 $0x60, s11  }
0x1cd: {  	[tilespmem:s19+$0x0] =	vst.add.f32.msk $0xffff, v3  }
0x1ce: {  	v3 =	vld [tilespmem:s23+$0x26F0];
	_ =	sdelay $0x3  }
0x1cf: {  	s20 =	sor.u32 $0x70, s11  }
0x1d0: {  	[tilespmem:s20+$0x0] =	vst.add.f32.msk $0xffff, v3  }
0x1d1: {  	v3 =	vld [tilespmem:s23+$0x2700];
	_ =	sdelay $0x4  }
0x1d2: {  	[tilespmem:s11+$0x400] =	vst.add.f32.msk $0xffff, v3  }
0x1d3: {  	v3 =	vld [tilespmem:s23+$0x2710];
	_ =	sdelay $0x4  }
0x1d4: {  	[tilespmem:s11+$0x410] =	vst.add.f32.msk $0xffff, v3  }
0x1d5: {  	v3 =	vld [tilespmem:s23+$0x2720];
	_ =	sdelay $0x4  }
0x1d6: {  	[tilespmem:s11+$0x420] =	vst.add.f32.msk $0xffff, v3  }
0x1d7: {  	v3 =	vld [tilespmem:s23+$0x2730];
	_ =	sdelay $0x4  }
0x1d8: {  	[tilespmem:s11+$0x430] =	vst.add.f32.msk $0xffff, v3  }
0x1d9: {  	v3 =	vld [tilespmem:s23+$0x2740];
	_ =	sdelay $0x4  }
0x1da: {  	[tilespmem:s11+$0x440] =	vst.add.f32.msk $0xffff, v3  }
0x1db: {  	v3 =	vld [tilespmem:s23+$0x2750];
	_ =	sdelay $0x4  }
0x1dc: {  	[tilespmem:s11+$0x450] =	vst.add.f32.msk $0xffff, v3  }
0x1dd: {  	v3 =	vld [tilespmem:s23+$0x2760];
	_ =	sdelay $0x4  }
0x1de: {  	[tilespmem:s11+$0x460] =	vst.add.f32.msk $0xffff, v3  }
0x1df: {  	v3 =	vld [tilespmem:s23+$0x2770];
	_ =	sdelay $0x4  }
0x1e0: {  	[tilespmem:s11+$0x470] =	vst.add.f32.msk $0xffff, v3  }
0x1e1: {  	v3 =	vld [tilespmem:s23+$0x2780];
	_ =	sdelay $0x4  }
0x1e2: {  	[tilespmem:s10+$0x17580] =	vst.add.f32.msk $0xffff, v3  }
0x1e3: {  	v3 =	vld [tilespmem:s23+$0x2790];
	_ =	sdelay $0x2  }
0x1e4: {  	s11 =	sadd.s32 $0x17580, s10  }
0x1e5: {  	s28 =	sor.u32 $0x10, s11  }
0x1e6: {  	[tilespmem:s28+$0x0] =	vst.add.f32.msk $0xffff, v3  }
0x1e7: {  	v3 =	vld [tilespmem:s23+$0x27A0];
	_ =	sdelay $0x3  }
0x1e8: {  	s29 =	sor.u32 $0x20, s11  }
0x1e9: {  	[tilespmem:s29+$0x0] =	vst.add.f32.msk $0xffff, v3  }
0x1ea: {  	v3 =	vld [tilespmem:s23+$0x27B0];
	_ =	sdelay $0x3  }
0x1eb: {  	s30 =	sor.u32 $0x30, s11  }
0x1ec: {  	[tilespmem:s30+$0x0] =	vst.add.f32.msk $0xffff, v3  }
0x1ed: {  	v3 =	vld [tilespmem:s23+$0x27C0];
	_ =	sdelay $0x3  }
0x1ee: {  	s19 =	sor.u32 $0x40, s11  }
0x1ef: {  	[tilespmem:s19+$0x0] =	vst.add.f32.msk $0xffff, v3  }
0x1f0: {  	v3 =	vld [tilespmem:s23+$0x27D0];
	_ =	sdelay $0x3  }
0x1f1: {  	s20 =	sor.u32 $0x50, s11  }
0x1f2: {  	[tilespmem:s20+$0x0] =	vst.add.f32.msk $0xffff, v3  }
0x1f3: {  	v3 =	vld [tilespmem:s23+$0x27E0];
	_ =	sdelay $0x3  }
0x1f4: {  	s28 =	sor.u32 $0x60, s11  }
0x1f5: {  	[tilespmem:s28+$0x0] =	vst.add.f32.msk $0xffff, v3  }
0x1f6: {  	v3 =	vld [tilespmem:s23+$0x27F0];
	_ =	sdelay $0x3  }
0x1f7: {  	s11 =	sor.u32 $0x70, s11  }
0x1f8: {  	[tilespmem:s11+$0x0] =	vst.add.f32.msk $0xffff, v3  }
0x1f9: {  	v3 =	vld [tilespmem:s23+$0x2800];
	_ =	sdelay $0x4  }
0x1fa: {  	[tilespmem:s10+$0x17980] =	vst.add.f32.msk $0xffff, v3  }
0x1fb: {  	v3 =	vld [tilespmem:s23+$0x2810];
	_ =	sdelay $0x2  }
0x1fc: {  	s11 =	sadd.s32 $0x17980, s10  }
0x1fd: {  	s29 =	sor.u32 $0x10, s11  }
0x1fe: {  	[tilespmem:s29+$0x0] =	vst.add.f32.msk $0xffff, v3  }
0x1ff: {  	v3 =	vld [tilespmem:s23+$0x2820];
	_ =	sdelay $0x3  }
0x200: {  	s30 =	sor.u32 $0x20, s11  }
0x201: {  	[tilespmem:s30+$0x0] =	vst.add.f32.msk $0xffff, v3  }
0x202: {  	v3 =	vld [tilespmem:s23+$0x2830];
	_ =	sdelay $0x3  }
0x203: {  	s19 =	sor.u32 $0x30, s11  }
0x204: {  	[tilespmem:s19+$0x0] =	vst.add.f32.msk $0xffff, v3  }
0x205: {  	v3 =	vld [tilespmem:s23+$0x2840];
	_ =	sdelay $0x3  }
0x206: {  	s20 =	sor.u32 $0x40, s11  }
0x207: {  	[tilespmem:s20+$0x0] =	vst.add.f32.msk $0xffff, v3  }
0x208: {  	v3 =	vld [tilespmem:s23+$0x2850];
	_ =	sdelay $0x3  }
0x209: {  	s28 =	sor.u32 $0x50, s11  }
0x20a: {  	[tilespmem:s28+$0x0] =	vst.add.f32.msk $0xffff, v3  }
0x20b: {  	v3 =	vld [tilespmem:s23+$0x2860];
	_ =	sdelay $0x3  }
0x20c: {  	s29 =	sor.u32 $0x60, s11  }
0x20d: {  	[tilespmem:s29+$0x0] =	vst.add.f32.msk $0xffff, v3  }
0x20e: {  	v3 =	vld [tilespmem:s23+$0x2870];
	_ =	sdelay $0x3  }
0x20f: {  	s11 =	sor.u32 $0x70, s11  }
0x210: {  	[tilespmem:s11+$0x0] =	vst.add.f32.msk $0xffff, v3  }
0x211: {  	v3 =	vld [tilespmem:s23+$0x2880];
	_ =	sdelay $0x4  }
0x212: {  	[tilespmem:s10+$0x17D80] =	vst.add.f32.msk $0xffff, v3  }
0x213: {  	v3 =	vld [tilespmem:s23+$0x2890];
	_ =	sdelay $0x2  }
0x214: {  	s11 =	sadd.s32 $0x17D80, s10  }
0x215: {  	s30 =	sor.u32 $0x10, s11  }
0x216: {  	[tilespmem:s30+$0x0] =	vst.add.f32.msk $0xffff, v3  }
0x217: {  	v3 =	vld [tilespmem:s23+$0x28A0];
	_ =	sdelay $0x3  }
0x218: {  	s19 =	sor.u32 $0x20, s11  }
0x219: {  	[tilespmem:s19+$0x0] =	vst.add.f32.msk $0xffff, v3  }
0x21a: {  	v3 =	vld [tilespmem:s23+$0x28B0];
	_ =	sdelay $0x3  }
0x21b: {  	s20 =	sor.u32 $0x30, s11  }
0x21c: {  	[tilespmem:s20+$0x0] =	vst.add.f32.msk $0xffff, v3  }
0x21d: {  	v3 =	vld [tilespmem:s23+$0x28C0];
	_ =	sdelay $0x3  }
0x21e: {  	s28 =	sor.u32 $0x40, s11  }
0x21f: {  	[tilespmem:s28+$0x0] =	vst.add.f32.msk $0xffff, v3  }
0x220: {  	v3 =	vld [tilespmem:s23+$0x28D0];
	_ =	sdelay $0x3  }
0x221: {  	s29 =	sor.u32 $0x50, s11  }
0x222: {  	[tilespmem:s29+$0x0] =	vst.add.f32.msk $0xffff, v3  }
0x223: {  	v3 =	vld [tilespmem:s23+$0x28E0];
	_ =	sdelay $0x3  }
0x224: {  	s30 =	sor.u32 $0x60, s11  }
0x225: {  	[tilespmem:s30+$0x0] =	vst.add.f32.msk $0xffff, v3  }
0x226: {  	v3 =	vld [tilespmem:s23+$0x28F0];
	_ =	sdelay $0x3  }
0x227: {  	s11 =	sor.u32 $0x70, s11  }
0x228: {  	[tilespmem:s11+$0x0] =	vst.add.f32.msk $0xffff, v3  }
0x229: {  	v3 =	vld [tilespmem:s23+$0x2900];
	_ =	sdelay $0x4  }
0x22a: {  	[tilespmem:s10+$0x18180] =	vst.add.f32.msk $0xffff, v3  }
0x22b: {  	v3 =	vld [tilespmem:s23+$0x2910];
	_ =	sdelay $0x2  }
0x22c: {  	s18 =	sadd.s32 $0x18180, s10  }
0x22d: {  	s10 =	sor.u32 $0x10, s18  }
0x22e: {  	[tilespmem:s10+$0x0] =	vst.add.f32.msk $0xffff, v3  }
0x22f: {  	v3 =	vld [tilespmem:s23+$0x2920];
	_ =	sdelay $0x3  }
0x230: {  	s19 =	sor.u32 $0x20, s18  }
0x231: {  	[tilespmem:s19+$0x0] =	vst.add.f32.msk $0xffff, v3  }
0x232: {  	v3 =	vld [tilespmem:s23+$0x2930];
	_ =	sdelay $0x3  }
0x233: {  	s20 =	sor.u32 $0x30, s18  }
0x234: {  	[tilespmem:s20+$0x0] =	vst.add.f32.msk $0xffff, v3  }
0x235: {  	v3 =	vld [tilespmem:s23+$0x2940];
	_ =	sdelay $0x3  }
0x236: {  	s28 =	sor.u32 $0x40, s18  }
0x237: {  	[tilespmem:s28+$0x0] =	vst.add.f32.msk $0xffff, v3  }
0x238: {  	v3 =	vld [tilespmem:s23+$0x2950];
	_ =	sdelay $0x3  }
0x239: {  	s29 =	sor.u32 $0x50, s18  }
0x23a: {  	[tilespmem:s29+$0x0] =	vst.add.f32.msk $0xffff, v3  }
0x23b: {  	v3 =	vld [tilespmem:s23+$0x2960];
	_ =	sdelay $0x3  }
0x23c: {  	s30 =	sor.u32 $0x60, s18  }
0x23d: {  	[tilespmem:s30+$0x0] =	vst.add.f32.msk $0xffff, v3  }
0x23e: {  	v3 =	vld [tilespmem:s23+$0x2970];
	_ =	sdelay $0x2  }
0x23f: {  	s11 =	sor.u32 $0x70, s18;
	s10 =	simm.s32 $0x1  }
.LBB2_5:
0x240: {  	p0 =	sne.s32 s10, $0x1F  }
0x241: {  	[tilespmem:s11+$0x0] =	vst.add.f32.msk $0xffff, v3;
	s6 =	sadd.s32 $0x80, s6;
	s11 =	smov.u32 s10;
	s10 =	sadd.s32 $0x1, s10  }
0x242: {  	v3 =	vld [tilespmem:s23+$0x2680];
	s11 =	sshrl.u32 s11, $0x3  }
0x243: {  	s11 =	smul.u32 $0x6000, s11;
	_ =	sdelay $0x1  }
0x244: {  	s18 =	sand.u32 $0x380, s6;
	s11 =	sshra.s32 s11, $0x2  }
0x245: {  	s19 =	sor.u32 s18, s11  }
0x246: {  	[tilespmem:s19+$0x16D80] =	vst.add.f32.msk $0xffff, v3;
	s28 =	sadd.s32 $0x17580, s19;
	s20 =	sadd.s32 $0x17980, s19;
	s11 =	sadd.s32 $0x17D80, s19  }
0x247: {  	s18 =	sadd.s32 $0x18180, s19;
	v3 =	vld [tilespmem:s23+$0x2690];
	_ =	sdelay $0x2  }
0x248: {  	s29 =	sadd.s32 $0x16D80, s19  }
0x249: {  	s30 =	sor.u32 $0x10, s29  }
0x24a: {  	[tilespmem:s30+$0x0] =	vst.add.f32.msk $0xffff, v3  }
0x24b: {  	v3 =	vld [tilespmem:s23+$0x26A0];
	_ =	sdelay $0x3  }
0x24c: {  	s30 =	sor.u32 $0x20, s29  }
0x24d: {  	[tilespmem:s30+$0x0] =	vst.add.f32.msk $0xffff, v3  }
0x24e: {  	v3 =	vld [tilespmem:s23+$0x26B0];
	_ =	sdelay $0x3  }
0x24f: {  	s30 =	sor.u32 $0x30, s29  }
0x250: {  	[tilespmem:s30+$0x0] =	vst.add.f32.msk $0xffff, v3  }
0x251: {  	v3 =	vld [tilespmem:s23+$0x26C0];
	_ =	sdelay $0x3  }
0x252: {  	s30 =	sor.u32 $0x40, s29  }
0x253: {  	[tilespmem:s30+$0x0] =	vst.add.f32.msk $0xffff, v3  }
0x254: {  	v3 =	vld [tilespmem:s23+$0x26D0];
	_ =	sdelay $0x3  }
0x255: {  	s30 =	sor.u32 $0x50, s29  }
0x256: {  	[tilespmem:s30+$0x0] =	vst.add.f32.msk $0xffff, v3  }
0x257: {  	v3 =	vld [tilespmem:s23+$0x26E0];
	_ =	sdelay $0x3  }
0x258: {  	s30 =	sor.u32 $0x60, s29  }
0x259: {  	[tilespmem:s30+$0x0] =	vst.add.f32.msk $0xffff, v3  }
0x25a: {  	v3 =	vld [tilespmem:s23+$0x26F0];
	_ =	sdelay $0x3  }
0x25b: {  	s30 =	sor.u32 $0x70, s29  }
0x25c: {  	[tilespmem:s30+$0x0] =	vst.add.f32.msk $0xffff, v3  }
0x25d: {  	v3 =	vld [tilespmem:s23+$0x2700];
	_ =	sdelay $0x4  }
0x25e: {  	[tilespmem:s29+$0x400] =	vst.add.f32.msk $0xffff, v3  }
0x25f: {  	v3 =	vld [tilespmem:s23+$0x2710];
	_ =	sdelay $0x4  }
0x260: {  	[tilespmem:s29+$0x410] =	vst.add.f32.msk $0xffff, v3  }
0x261: {  	v3 =	vld [tilespmem:s23+$0x2720];
	_ =	sdelay $0x4  }
0x262: {  	[tilespmem:s29+$0x420] =	vst.add.f32.msk $0xffff, v3  }
0x263: {  	v3 =	vld [tilespmem:s23+$0x2730];
	_ =	sdelay $0x4  }
0x264: {  	[tilespmem:s29+$0x430] =	vst.add.f32.msk $0xffff, v3  }
0x265: {  	v3 =	vld [tilespmem:s23+$0x2740];
	_ =	sdelay $0x4  }
0x266: {  	[tilespmem:s29+$0x440] =	vst.add.f32.msk $0xffff, v3  }
0x267: {  	v3 =	vld [tilespmem:s23+$0x2750];
	_ =	sdelay $0x4  }
0x268: {  	[tilespmem:s29+$0x450] =	vst.add.f32.msk $0xffff, v3  }
0x269: {  	v3 =	vld [tilespmem:s23+$0x2760];
	_ =	sdelay $0x4  }
0x26a: {  	[tilespmem:s29+$0x460] =	vst.add.f32.msk $0xffff, v3  }
0x26b: {  	v3 =	vld [tilespmem:s23+$0x2770];
	_ =	sdelay $0x4  }
0x26c: {  	[tilespmem:s29+$0x470] =	vst.add.f32.msk $0xffff, v3  }
0x26d: {  	v3 =	vld [tilespmem:s23+$0x2780];
	_ =	sdelay $0x4  }
0x26e: {  	[tilespmem:s19+$0x17580] =	vst.add.f32.msk $0xffff, v3  }
0x26f: {  	v3 =	vld [tilespmem:s23+$0x2790];
	_ =	sdelay $0x3  }
0x270: {  	s29 =	sor.u32 $0x10, s28  }
0x271: {  	[tilespmem:s29+$0x0] =	vst.add.f32.msk $0xffff, v3  }
0x272: {  	v3 =	vld [tilespmem:s23+$0x27A0];
	_ =	sdelay $0x3  }
0x273: {  	s29 =	sor.u32 $0x20, s28  }
0x274: {  	[tilespmem:s29+$0x0] =	vst.add.f32.msk $0xffff, v3  }
0x275: {  	v3 =	vld [tilespmem:s23+$0x27B0];
	_ =	sdelay $0x3  }
0x276: {  	s29 =	sor.u32 $0x30, s28  }
0x277: {  	[tilespmem:s29+$0x0] =	vst.add.f32.msk $0xffff, v3  }
0x278: {  	v3 =	vld [tilespmem:s23+$0x27C0];
	_ =	sdelay $0x3  }
0x279: {  	s29 =	sor.u32 $0x40, s28  }
0x27a: {  	[tilespmem:s29+$0x0] =	vst.add.f32.msk $0xffff, v3  }
0x27b: {  	v3 =	vld [tilespmem:s23+$0x27D0];
	_ =	sdelay $0x3  }
0x27c: {  	s29 =	sor.u32 $0x50, s28  }
0x27d: {  	[tilespmem:s29+$0x0] =	vst.add.f32.msk $0xffff, v3  }
0x27e: {  	v3 =	vld [tilespmem:s23+$0x27E0];
	_ =	sdelay $0x3  }
0x27f: {  	s29 =	sor.u32 $0x60, s28  }
0x280: {  	[tilespmem:s29+$0x0] =	vst.add.f32.msk $0xffff, v3  }
0x281: {  	v3 =	vld [tilespmem:s23+$0x27F0];
	_ =	sdelay $0x3  }
0x282: {  	s28 =	sor.u32 $0x70, s28  }
0x283: {  	[tilespmem:s28+$0x0] =	vst.add.f32.msk $0xffff, v3  }
0x284: {  	v3 =	vld [tilespmem:s23+$0x2800];
	_ =	sdelay $0x4  }
0x285: {  	[tilespmem:s19+$0x17980] =	vst.add.f32.msk $0xffff, v3  }
0x286: {  	v3 =	vld [tilespmem:s23+$0x2810];
	_ =	sdelay $0x3  }
0x287: {  	s28 =	sor.u32 $0x10, s20  }
0x288: {  	[tilespmem:s28+$0x0] =	vst.add.f32.msk $0xffff, v3  }
0x289: {  	v3 =	vld [tilespmem:s23+$0x2820];
	_ =	sdelay $0x3  }
0x28a: {  	s28 =	sor.u32 $0x20, s20  }
0x28b: {  	[tilespmem:s28+$0x0] =	vst.add.f32.msk $0xffff, v3  }
0x28c: {  	v3 =	vld [tilespmem:s23+$0x2830];
	_ =	sdelay $0x3  }
0x28d: {  	s28 =	sor.u32 $0x30, s20  }
0x28e: {  	[tilespmem:s28+$0x0] =	vst.add.f32.msk $0xffff, v3  }
0x28f: {  	v3 =	vld [tilespmem:s23+$0x2840];
	_ =	sdelay $0x3  }
0x290: {  	s28 =	sor.u32 $0x40, s20  }
0x291: {  	[tilespmem:s28+$0x0] =	vst.add.f32.msk $0xffff, v3  }
0x292: {  	v3 =	vld [tilespmem:s23+$0x2850];
	_ =	sdelay $0x3  }
0x293: {  	s28 =	sor.u32 $0x50, s20  }
0x294: {  	[tilespmem:s28+$0x0] =	vst.add.f32.msk $0xffff, v3  }
0x295: {  	v3 =	vld [tilespmem:s23+$0x2860];
	_ =	sdelay $0x3  }
0x296: {  	s28 =	sor.u32 $0x60, s20  }
0x297: {  	[tilespmem:s28+$0x0] =	vst.add.f32.msk $0xffff, v3  }
0x298: {  	v3 =	vld [tilespmem:s23+$0x2870];
	_ =	sdelay $0x3  }
0x299: {  	s20 =	sor.u32 $0x70, s20  }
0x29a: {  	[tilespmem:s20+$0x0] =	vst.add.f32.msk $0xffff, v3  }
0x29b: {  	v3 =	vld [tilespmem:s23+$0x2880];
	_ =	sdelay $0x4  }
0x29c: {  	[tilespmem:s19+$0x17D80] =	vst.add.f32.msk $0xffff, v3  }
0x29d: {  	v3 =	vld [tilespmem:s23+$0x2890];
	_ =	sdelay $0x3  }
0x29e: {  	s20 =	sor.u32 $0x10, s11  }
0x29f: {  	[tilespmem:s20+$0x0] =	vst.add.f32.msk $0xffff, v3  }
0x2a0: {  	v3 =	vld [tilespmem:s23+$0x28A0];
	_ =	sdelay $0x3  }
0x2a1: {  	s20 =	sor.u32 $0x20, s11  }
0x2a2: {  	[tilespmem:s20+$0x0] =	vst.add.f32.msk $0xffff, v3  }
0x2a3: {  	v3 =	vld [tilespmem:s23+$0x28B0];
	_ =	sdelay $0x3  }
0x2a4: {  	s20 =	sor.u32 $0x30, s11  }
0x2a5: {  	[tilespmem:s20+$0x0] =	vst.add.f32.msk $0xffff, v3  }
0x2a6: {  	v3 =	vld [tilespmem:s23+$0x28C0];
	_ =	sdelay $0x3  }
0x2a7: {  	s20 =	sor.u32 $0x40, s11  }
0x2a8: {  	[tilespmem:s20+$0x0] =	vst.add.f32.msk $0xffff, v3  }
0x2a9: {  	v3 =	vld [tilespmem:s23+$0x28D0];
	_ =	sdelay $0x3  }
0x2aa: {  	s20 =	sor.u32 $0x50, s11  }
0x2ab: {  	[tilespmem:s20+$0x0] =	vst.add.f32.msk $0xffff, v3  }
0x2ac: {  	v3 =	vld [tilespmem:s23+$0x28E0];
	_ =	sdelay $0x3  }
0x2ad: {  	s20 =	sor.u32 $0x60, s11  }
0x2ae: {  	[tilespmem:s20+$0x0] =	vst.add.f32.msk $0xffff, v3  }
0x2af: {  	v3 =	vld [tilespmem:s23+$0x28F0];
	_ =	sdelay $0x3  }
0x2b0: {  	s11 =	sor.u32 $0x70, s11  }
0x2b1: {  	[tilespmem:s11+$0x0] =	vst.add.f32.msk $0xffff, v3  }
0x2b2: {  	v3 =	vld [tilespmem:s23+$0x2900];
	_ =	sdelay $0x4  }
0x2b3: {  	[tilespmem:s19+$0x18180] =	vst.add.f32.msk $0xffff, v3  }
0x2b4: {  	v3 =	vld [tilespmem:s23+$0x2910];
	_ =	sdelay $0x3  }
0x2b5: {  	s11 =	sor.u32 $0x10, s18  }
0x2b6: {  	[tilespmem:s11+$0x0] =	vst.add.f32.msk $0xffff, v3  }
0x2b7: {  	v3 =	vld [tilespmem:s23+$0x2920];
	_ =	sdelay $0x3  }
0x2b8: {  	s11 =	sor.u32 $0x20, s18  }
0x2b9: {  	[tilespmem:s11+$0x0] =	vst.add.f32.msk $0xffff, v3  }
0x2ba: {  	v3 =	vld [tilespmem:s23+$0x2930];
	_ =	sdelay $0x3  }
0x2bb: {  	s11 =	sor.u32 $0x30, s18  }
0x2bc: {  	[tilespmem:s11+$0x0] =	vst.add.f32.msk $0xffff, v3  }
0x2bd: {  	v3 =	vld [tilespmem:s23+$0x2940];
	_ =	sdelay $0x3  }
0x2be: {  	s11 =	sor.u32 $0x40, s18  }
0x2bf: {  	[tilespmem:s11+$0x0] =	vst.add.f32.msk $0xffff, v3  }
0x2c0: {  	v3 =	vld [tilespmem:s23+$0x2950];
	_ =	sdelay $0x3  }
0x2c1: {  	s11 =	sor.u32 $0x50, s18  }
0x2c2: {  	[tilespmem:s11+$0x0] =	vst.add.f32.msk $0xffff, v3  }
0x2c3: {  	v3 =	vld [tilespmem:s23+$0x2960];
	_ =	sdelay $0x3  }
0x2c4: {  	s11 =	sor.u32 $0x60, s18  }
0x2c5: {  	[tilespmem:s11+$0x0] =	vst.add.f32.msk $0xffff, v3  }
.Ltmp1:
0x2c6: {  	v3 =	vld [tilespmem:s23+$0x2970];
	(pc) =	sbr.rel @p0 .LBB2_5-.Ltmp1, $2  }
0x2c7: {  	_ =	sdelay $0x2  }
0x2c8: {  	s11 =	sor.u32 $0x70, s18  }
0x2c9: {  	s6 =	sand.u32 $0x60, s22  }
0x2ca: {  	s6 =	sor.u32 s7, s6  }
0x2cb: {  	s21 =	sadd.s32 $0x1, s21;
	s6 =	sshrl.u32 s6, $0x3  }
0x2cc: {  	p0 =	sne.s32 s21, $0x9A;
	s6 =	smul.u32 $0x1800, s6  }
.Ltmp2:
0x2cd: {  	_ = 	snop;
	(pc) =	sbr.rel @p0 .LBB2_2-.Ltmp2, $4  }
0x2ce: {  	s6 =	sadd.s32 s24, s6  }
0x2cf: {  	s6 =	sshrl.u32 s6, $0x3  }
0x2d0: {  	[tilespmem:s11+$0x0] =	vst.add.f32.msk $0xffff, v3;
	s6 =	sadd.s32 s4, s6  }
0x2d1: {  	[hbm4b:s6+s5] =	stream.linear.scatter [tilespmem:s26], [sflag:$0x4], $0x6000, $0x38;
	[tilespmem:$0x1CD80] =	vst v63  }
0x2d2: {  	s6 =	simm.s32 $0x3  }
0x2d3: {  	_ =	swait.ge [sflag:s6], $0x6000  }
0x2d4: {  	[sflag:s6] =	ssyncset.done $0x0  }
0x2d5: {  	s10 =	simm.s32 $0x4;
	[sflag:s6] =	ssyncadd.s32 $0xFFFFA000  }
0x2d6: {  	_ =	swait.ge [sflag:s10], $0x6000  }
0x2d7: {  	s11 =	rddreg [dreg:$0x7]  }
0x2d8: {  	s30 =	rddreg [dreg:$0x6];
	s11 =	sadd.s32 $0x1, s11  }
0x2d9: {  	p0 =	sne.s32 s11, s30  }
.Ltmp3:
0x2da: {  	_ = 	snop;
	(pc) =	sbr.rel @p0 .LBB2_1-.Ltmp3, $3  }
0x2db: {  	_ =	sdelay $0x1  }
0x2dc: {  	[sflag:s10] =	ssyncset.done $0x0  }
0x2dd: {  	[sflag:s10] =	ssyncadd.s32 $0xFFFFA000  }
0x2de: {  	_ =	sfence.sel $0x180000  }
0x2df: {  	[bflag:$0x0] =	sbarrier.arrive $0xFFFF  }
0x2e0: {  	_ =	strace $0x90000047  }
0x2e1: {  	s0 =	stileid.u32;
	[bflag:$0x2] =	sbarrier.arrive $0xFFFF  }
0x2e2: {  	p0 =	sne.s32 s0, $0x0;
	s0 =	rddreg [dreg:$0x4]  }
0x2e3: {  	s0 =	sadd.s32 @!p0 $0x100000, s0  }
0x2e4: {  	[sflag:s0] =	ssyncadd.tile.s32 @!p0 $0x1;
	_ =	shalt  }
.Lfunc_end2:
_tile_overlayer_lowered:
.L_overlay_start_2:
0x2e5: {  	(tag) =	ssettag $0x2  }
0x2e6: {  	s0 =	rddreg [dreg:$0x0];
	s2 =	stileid.u32  }
0x2e7: {  	s1 =	rddreg [dreg:$0x1];
	p0 =	sne.s32 s2, $0x0  }
0x2e8: {  	s3 =	rddreg [dreg:$0x2];
	[bflag:$0x3] =	sbarrier.arrive $0xFFFF;
	s2 =	simm.s32 @!p0 $0x1C05  }
0x2e9: {  	[timem:s3], [sflag:s2] =	dma.local @!p0 [hbm:s0], s1  }
0x2ea: {  	s0 =	simm.s32 @!p0 $0x5  }
0x2eb: {  	_ =	swait.ge @!p0 [sflag:s0], s1  }
0x2ec: {  	s1 =	ssub.s32 @!p0 $0x0, s1;
	[sflag:s0] =	ssyncset.done @!p0 $0x0  }
0x2ed: {  	[sflag:s0] =	ssyncadd.s32 @!p0 s1  }
0x2ee: {  	[bflag:$0x3] =	sbarrier.arrive $0xFFFF  }
0x2ef: {  	_ =	shalt  }

</sc_bundles>
